<compile_context>
chip_gen: v7x
topology: tpu7x:2x2x1
jax: 0.10.2.dev20260603
libtpu: 0.0.44.dev20260713+nightly
codegen_flags: <defaults>
</compile_context>

<pallas_src>
import functools

import jax
import jax.numpy as jnp
from jax import lax
from jax.experimental import pallas as pl
from jax.experimental.pallas import tpu as pltpu
from jax.experimental.pallas import tpu_sc as plsc



def _fuse_body(a_ref, w_ref, b_ref, o_ref):
    o_ref[...] = w_ref[...] + jnp.dot(
        a_ref[...], b_ref[...], preferred_element_type=jnp.float32
    )


def _fuse_table(weight, A, B, rows_per_block=2000):
    vocab, dim = weight.shape
    rank = A.shape[1]
    grid = pl.cdiv(vocab, rows_per_block)
    return pl.pallas_call(
        _fuse_body,
        grid=(grid,),
        in_specs=[
            pl.BlockSpec((rows_per_block, rank), lambda i: (i, 0)),
            pl.BlockSpec((rows_per_block, dim), lambda i: (i, 0)),
            pl.BlockSpec((rank, dim), lambda i: (0, 0)),
        ],
        out_specs=pl.BlockSpec((rows_per_block, dim), lambda i: (i, 0)),
        out_shape=jax.ShapeDtypeStruct((vocab, dim), jnp.float32),
    )(A, weight, B)



def _sc_gather(table, idx3d, m=4):
    _, batch, hpad = idx3d.shape
    dim = table.shape[1]
    info = plsc.get_sparse_core_info()
    nc, ns = info.num_cores, info.num_subcores
    nw = nc * ns
    b_per_w = batch // nw
    n_c = b_per_w // m
    mesh = plsc.VectorSubcoreMesh(core_axis_name="c", subcore_axis_name="s")
    idx4d = idx3d.reshape(2, nw, b_per_w, hpad)

    @functools.partial(
        pl.kernel,
        mesh=mesh,
        compiler_params=pltpu.CompilerParams(use_tc_tiling_on_sc=False),
        out_type=jax.ShapeDtypeStruct(
            (2, nw, n_c, m, hpad, dim), jnp.float32
        ),
        scratch_types=[
            pltpu.VMEM((2, b_per_w, hpad), jnp.int32),
            pltpu.VMEM((2, m, hpad, dim), jnp.float32),
            pltpu.SemaphoreType.DMA,
            pltpu.SemaphoreType.DMA,
        ],
    )
    def gather_kernel(table_hbm, idx_hbm, out_hbm, idx_v, rows_v, gsem, ssem):
        wid = lax.axis_index("s") * nc + lax.axis_index("c")
        for h in range(2):
            pltpu.sync_copy(idx_hbm.at[h, wid], idx_v.at[h])

        n_t = 2 * n_c

        def fire_g(ring, c):
            h = c // n_c
            cc = c % n_c
            for q in range(m):
                pltpu.async_copy(
                    table_hbm.at[idx_v.at[h, cc * m + q]],
                    rows_v.at[ring, q],
                    gsem,
                )

        def wait_g(ring, c):
            h = c // n_c
            cc = c % n_c
            for q in range(m):
                pltpu.make_async_copy(
                    table_hbm.at[idx_v.at[h, cc * m + q]],
                    rows_v.at[ring, q],
                    gsem,
                ).wait()

        def s_copy(ring, c):
            h = c // n_c
            cc = c % n_c
            return pltpu.make_async_copy(
                rows_v.at[ring], out_hbm.at[h, wid, cc], ssem
            )

        fire_g(0, 0)

        def body(t, carry):
            ca = 2 * t
            cb = ca + 1
            wait_g(0, ca)
            fire_g(1, cb)
            s_copy(0, ca).start()
            wait_g(1, cb)
            s_copy(1, cb).start()
            s_copy(0, ca).wait()

            @pl.when(t + 1 < n_t // 2)
            def _():
                fire_g(0, ca + 2)

            s_copy(1, cb).wait()
            return carry

        lax.fori_loop(0, n_t // 2, body, 0)

    return gather_kernel(table, idx4d)



def _xpose_body(x_ref, o_ref):
    x = x_ref[...]
    hp, dim, bb = o_ref.shape
    for p in range(hp // 2):
        xt = x[:, p, :].T
        o_ref[2 * p] = xt[0:dim]
        o_ref[2 * p + 1] = xt[dim : 2 * dim]


def _tc_transpose(packed, batch, hist, dim, bb=256):
    hpad = packed.size // (2 * batch * dim)
    xx = packed.reshape(2 * batch, hpad // 2, 2 * dim)
    nb = batch // bb
    grid = (2 * nb,)
    out = pl.pallas_call(
        _xpose_body,
        grid=grid,
        in_specs=[
            pl.BlockSpec((bb, hpad // 2, 2 * dim), lambda g: (g, 0, 0))
        ],
        out_specs=pl.BlockSpec(
            (hist // 2, dim, bb), lambda g: (g // nb, 0, g % nb)
        ),
        out_shape=jax.ShapeDtypeStruct((hist, dim, batch), jnp.float32),
    )(xx)
    return jnp.transpose(out, (2, 0, 1))


def kernel(indices, weight, A, B):
    batch, hist = indices.shape
    dim = weight.shape[1]
    hp = hist // 2
    hpad = hp + (-hp) % 16
    idxh = indices.astype(jnp.int32).reshape(batch, 2, hp).transpose(1, 0, 2)
    idx3d = jnp.concatenate([idxh, idxh[:, :, : hpad - hp]], axis=2)
    fused = _fuse_table(weight, A, B)
    packed = _sc_gather(fused, idx3d)
    return _tc_transpose(packed, batch, hist, dim)

# --- scband reference (transcript-rebuilt; emitter-appended) ---
"""Pipeline reference for scband-parallel-embedding-78958678769692 (READ-ONLY COPY).

The authoritative reference and input builder live on the scoring server;
editing this copy changes nothing except your own understanding.
"""

import jax, jax.numpy as jnp
import numpy as np

VOCAB = 100000
DIM = 64
LORA_RANK = 256
BATCH = 4096
HIST = 200


def setup_inputs(seed: int = 0) -> dict:
    key = jax.random.key(seed)
    k1, k2, k3, k4 = jax.random.split(key, 4)
    # frozen base embedding table (stand-in for deepseek init_weight shard)
    weight = jax.random.normal(k1, (VOCAB, DIM), dtype=jnp.float32) * 0.02
    # LoRA factors. Original code declares B as [lora_rank, part_vocab_size],
    # which is dimensionally inconsistent with producing dim-sized embeddings;
    # we use the standard LoRA layout B: [lora_rank, dim].
    A = jax.random.normal(k2, (VOCAB, LORA_RANK), dtype=jnp.float32) * 0.01
    B = jax.random.normal(k3, (LORA_RANK, DIM), dtype=jnp.float32) * 0.01
    indices = jax.random.randint(k4, (BATCH, HIST), 0, VOCAB, dtype=jnp.int64)
    return {"indices": indices, "weight": weight, "A": A, "B": B}


def reference(indices, weight, A, B):
    # world_size == 1, so st_idx == 0 and no masking is needed.
    base = jnp.take(weight, indices, axis=0)            # [B, L, dim] gather
    a_rows = jnp.take(A, indices, axis=0)               # [B, L, r] gather
    lora = a_rows @ B                                   # [B, L, dim]
    return base + lora

if __name__ == "__main__":
    import jax
    _d = setup_inputs()
    print(jax.jit(kernel)(*tuple(_d.values())))

</pallas_src>

<mosaic_0001>
#map = affine_map<(d0, d1) -> (0, 0)>
#map1 = affine_map<(d0, d1) -> (0, 0, 0, 0)>
#map2 = affine_map<(d0, d1) -> (0, 0, 0, 0, 0, 0)>
module attributes {stable_mosaic.version = 14 : i64} {
  func.func @gather_kernel(%arg0: i32, %arg1: i32, %arg2: memref<100000x64xf32, #tpu.memory_space<hbm>>, %arg3: memref<2x32x128x112xi32, #tpu.memory_space<hbm>>, %arg4: memref<2x32x32x4x112x64xf32, #tpu.memory_space<hbm>>, %arg5: memref<2x128x112xi32, #tpu.memory_space<vmem>>, %arg6: memref<2x4x112x64xf32, #tpu.memory_space<vmem>>, %arg7: memref<!tpu.dma_semaphore, #tpu.memory_space<semaphore_mem>>, %arg8: memref<!tpu.dma_semaphore, #tpu.memory_space<semaphore_mem>>) attributes {dimension_semantics = [#tpu.dimension_semantics<core_parallel>, #tpu.dimension_semantics<subcore_parallel>], iteration_bounds = array<i64: 2, 16>, scalar_prefetch = 0 : i64, scratch_operands = 4 : i64, tpu.core_type = #tpu.core_type<sc_vector_subcore>, window_params = [{transform_indices = #map}, {transform_indices = #map1}, {transform_indices = #map2}]} {
    %mul3A = arith.constant 2 : i32
    %mul3A_0 = arith.muli %arg1, %mul3A : i32
    %add3A = arith.addi %mul3A_0, %arg0 : i32
    %run_scoped3A = arith.constant 0 : i32
    %run_scoped3A_1 = arith.constant 0 : i32
    "tpu.region"() ({
      %run_scoped3A_64 = tpu.sem_alloc : memref<!tpu.dma_semaphore, #tpu.memory_space<semaphore_mem>>
      %dma_start3A_65 = arith.constant 0 : i32
      %dma_start3A_66 = arith.constant 0 : i32
      %dma_start3A_67 = tpu.memref_slice %arg5[%run_scoped3A_1, %dma_start3A_65, %dma_start3A_66] : memref<2x128x112xi32, #tpu.memory_space<vmem>> -> memref<1x128x112xi32, #tpu.memory_space<vmem>>
      %dma_start3A_68 = tpu.memref_squeeze %dma_start3A_67 : memref<1x128x112xi32, #tpu.memory_space<vmem>> -> memref<128x112xi32, #tpu.memory_space<vmem>>
      %dma_start3A_69 = arith.constant 0 : i32
      %dma_start3A_70 = arith.constant 0 : i32
      %dma_start3A_71 = tpu.memref_slice %arg3[%run_scoped3A, %add3A, %dma_start3A_69, %dma_start3A_70] : memref<2x32x128x112xi32, #tpu.memory_space<hbm>> -> memref<1x1x128x112xi32, #tpu.memory_space<hbm>>
      %dma_start3A_72 = tpu.memref_squeeze %dma_start3A_71 : memref<1x1x128x112xi32, #tpu.memory_space<hbm>> -> memref<128x112xi32, #tpu.memory_space<hbm>>
      %dma_start3A_73 = arith.constant 0 : i32
      %dma_start3A_74 = arith.constant 0 : i32
      %dma_start3A_75 = tpu.memref_slice %arg5[%run_scoped3A_1, %dma_start3A_73, %dma_start3A_74] : memref<2x128x112xi32, #tpu.memory_space<vmem>> -> memref<1x128x112xi32, #tpu.memory_space<vmem>>
      %dma_start3A_76 = tpu.memref_squeeze %dma_start3A_75 : memref<1x128x112xi32, #tpu.memory_space<vmem>> -> memref<128x112xi32, #tpu.memory_space<vmem>>
      %dma_start3A_77 = arith.constant 0 : i32
      %dma_start3A_78 = arith.constant 0 : i32
      %dma_start3A_79 = tpu.memref_slice %arg3[%run_scoped3A, %add3A, %dma_start3A_77, %dma_start3A_78] : memref<2x32x128x112xi32, #tpu.memory_space<hbm>> -> memref<1x1x128x112xi32, #tpu.memory_space<hbm>>
      %dma_start3A_80 = tpu.memref_squeeze %dma_start3A_79 : memref<1x1x128x112xi32, #tpu.memory_space<hbm>> -> memref<128x112xi32, #tpu.memory_space<hbm>>
      tpu.enqueue_dma source(%dma_start3A_80 : memref<128x112xi32, #tpu.memory_space<hbm>>) target(%dma_start3A_76 : memref<128x112xi32, #tpu.memory_space<vmem>>) target_semaphore(%run_scoped3A_64 : memref<!tpu.dma_semaphore, #tpu.memory_space<semaphore_mem>>)
      %dma_wait3A = arith.constant 0 : i32
      %dma_wait3A_81 = arith.constant 0 : i32
      %dma_wait3A_82 = tpu.memref_slice %arg5[%run_scoped3A_1, %dma_wait3A, %dma_wait3A_81] : memref<2x128x112xi32, #tpu.memory_space<vmem>> -> memref<1x128x112xi32, #tpu.memory_space<vmem>>
      %dma_wait3A_83 = tpu.memref_squeeze %dma_wait3A_82 : memref<1x128x112xi32, #tpu.memory_space<vmem>> -> memref<128x112xi32, #tpu.memory_space<vmem>>
      %dma_wait3A_84 = arith.constant 0 : i32
      %dma_wait3A_85 = arith.constant 0 : i32
      %dma_wait3A_86 = tpu.memref_slice %arg3[%run_scoped3A, %add3A, %dma_wait3A_84, %dma_wait3A_85] : memref<2x32x128x112xi32, #tpu.memory_space<hbm>> -> memref<1x1x128x112xi32, #tpu.memory_space<hbm>>
      %dma_wait3A_87 = tpu.memref_squeeze %dma_wait3A_86 : memref<1x1x128x112xi32, #tpu.memory_space<hbm>> -> memref<128x112xi32, #tpu.memory_space<hbm>>
      %dma_wait3A_88 = arith.constant 0 : i32
      %dma_wait3A_89 = arith.constant 0 : i32
      %dma_wait3A_90 = tpu.memref_slice %arg5[%run_scoped3A_1, %dma_wait3A_88, %dma_wait3A_89] : memref<2x128x112xi32, #tpu.memory_space<vmem>> -> memref<1x128x112xi32, #tpu.memory_space<vmem>>
      %dma_wait3A_91 = tpu.memref_squeeze %dma_wait3A_90 : memref<1x128x112xi32, #tpu.memory_space<vmem>> -> memref<128x112xi32, #tpu.memory_space<vmem>>
      %dma_wait3A_92 = arith.constant 0 : i32
      %dma_wait3A_93 = arith.constant 0 : i32
      %dma_wait3A_94 = tpu.memref_slice %arg3[%run_scoped3A, %add3A, %dma_wait3A_92, %dma_wait3A_93] : memref<2x32x128x112xi32, #tpu.memory_space<hbm>> -> memref<1x1x128x112xi32, #tpu.memory_space<hbm>>
      %dma_wait3A_95 = tpu.memref_squeeze %dma_wait3A_94 : memref<1x1x128x112xi32, #tpu.memory_space<hbm>> -> memref<128x112xi32, #tpu.memory_space<hbm>>
      tpu.wait_dma2 semaphore(%run_scoped3A_64 : memref<!tpu.dma_semaphore, #tpu.memory_space<semaphore_mem>>) src(%dma_wait3A_95 : memref<128x112xi32, #tpu.memory_space<hbm>>) dst(%dma_wait3A_91 : memref<128x112xi32, #tpu.memory_space<vmem>>)
      tpu.yield
    }) : () -> ()
    %run_scoped3A_2 = arith.constant 1 : i32
    %run_scoped3A_3 = arith.constant 1 : i32
    "tpu.region"() ({
      %run_scoped3A_64 = tpu.sem_alloc : memref<!tpu.dma_semaphore, #tpu.memory_space<semaphore_mem>>
      %dma_start3A_65 = arith.constant 0 : i32
      %dma_start3A_66 = arith.constant 0 : i32
      %dma_start3A_67 = tpu.memref_slice %arg5[%run_scoped3A_3, %dma_start3A_65, %dma_start3A_66] : memref<2x128x112xi32, #tpu.memory_space<vmem>> -> memref<1x128x112xi32, #tpu.memory_space<vmem>>
      %dma_start3A_68 = tpu.memref_squeeze %dma_start3A_67 : memref<1x128x112xi32, #tpu.memory_space<vmem>> -> memref<128x112xi32, #tpu.memory_space<vmem>>
      %dma_start3A_69 = arith.constant 0 : i32
      %dma_start3A_70 = arith.constant 0 : i32
      %dma_start3A_71 = tpu.memref_slice %arg3[%run_scoped3A_2, %add3A, %dma_start3A_69, %dma_start3A_70] : memref<2x32x128x112xi32, #tpu.memory_space<hbm>> -> memref<1x1x128x112xi32, #tpu.memory_space<hbm>>
      %dma_start3A_72 = tpu.memref_squeeze %dma_start3A_71 : memref<1x1x128x112xi32, #tpu.memory_space<hbm>> -> memref<128x112xi32, #tpu.memory_space<hbm>>
      %dma_start3A_73 = arith.constant 0 : i32
      %dma_start3A_74 = arith.constant 0 : i32
      %dma_start3A_75 = tpu.memref_slice %arg5[%run_scoped3A_3, %dma_start3A_73, %dma_start3A_74] : memref<2x128x112xi32, #tpu.memory_space<vmem>> -> memref<1x128x112xi32, #tpu.memory_space<vmem>>
      %dma_start3A_76 = tpu.memref_squeeze %dma_start3A_75 : memref<1x128x112xi32, #tpu.memory_space<vmem>> -> memref<128x112xi32, #tpu.memory_space<vmem>>
      %dma_start3A_77 = arith.constant 0 : i32
      %dma_start3A_78 = arith.constant 0 : i32
      %dma_start3A_79 = tpu.memref_slice %arg3[%run_scoped3A_2, %add3A, %dma_start3A_77, %dma_start3A_78] : memref<2x32x128x112xi32, #tpu.memory_space<hbm>> -> memref<1x1x128x112xi32, #tpu.memory_space<hbm>>
      %dma_start3A_80 = tpu.memref_squeeze %dma_start3A_79 : memref<1x1x128x112xi32, #tpu.memory_space<hbm>> -> memref<128x112xi32, #tpu.memory_space<hbm>>
      tpu.enqueue_dma source(%dma_start3A_80 : memref<128x112xi32, #tpu.memory_space<hbm>>) target(%dma_start3A_76 : memref<128x112xi32, #tpu.memory_space<vmem>>) target_semaphore(%run_scoped3A_64 : memref<!tpu.dma_semaphore, #tpu.memory_space<semaphore_mem>>)
      %dma_wait3A = arith.constant 0 : i32
      %dma_wait3A_81 = arith.constant 0 : i32
      %dma_wait3A_82 = tpu.memref_slice %arg5[%run_scoped3A_3, %dma_wait3A, %dma_wait3A_81] : memref<2x128x112xi32, #tpu.memory_space<vmem>> -> memref<1x128x112xi32, #tpu.memory_space<vmem>>
      %dma_wait3A_83 = tpu.memref_squeeze %dma_wait3A_82 : memref<1x128x112xi32, #tpu.memory_space<vmem>> -> memref<128x112xi32, #tpu.memory_space<vmem>>
      %dma_wait3A_84 = arith.constant 0 : i32
      %dma_wait3A_85 = arith.constant 0 : i32
      %dma_wait3A_86 = tpu.memref_slice %arg3[%run_scoped3A_2, %add3A, %dma_wait3A_84, %dma_wait3A_85] : memref<2x32x128x112xi32, #tpu.memory_space<hbm>> -> memref<1x1x128x112xi32, #tpu.memory_space<hbm>>
      %dma_wait3A_87 = tpu.memref_squeeze %dma_wait3A_86 : memref<1x1x128x112xi32, #tpu.memory_space<hbm>> -> memref<128x112xi32, #tpu.memory_space<hbm>>
      %dma_wait3A_88 = arith.constant 0 : i32
      %dma_wait3A_89 = arith.constant 0 : i32
      %dma_wait3A_90 = tpu.memref_slice %arg5[%run_scoped3A_3, %dma_wait3A_88, %dma_wait3A_89] : memref<2x128x112xi32, #tpu.memory_space<vmem>> -> memref<1x128x112xi32, #tpu.memory_space<vmem>>
      %dma_wait3A_91 = tpu.memref_squeeze %dma_wait3A_90 : memref<1x128x112xi32, #tpu.memory_space<vmem>> -> memref<128x112xi32, #tpu.memory_space<vmem>>
      %dma_wait3A_92 = arith.constant 0 : i32
      %dma_wait3A_93 = arith.constant 0 : i32
      %dma_wait3A_94 = tpu.memref_slice %arg3[%run_scoped3A_2, %add3A, %dma_wait3A_92, %dma_wait3A_93] : memref<2x32x128x112xi32, #tpu.memory_space<hbm>> -> memref<1x1x128x112xi32, #tpu.memory_space<hbm>>
      %dma_wait3A_95 = tpu.memref_squeeze %dma_wait3A_94 : memref<1x1x128x112xi32, #tpu.memory_space<hbm>> -> memref<128x112xi32, #tpu.memory_space<hbm>>
      tpu.wait_dma2 semaphore(%run_scoped3A_64 : memref<!tpu.dma_semaphore, #tpu.memory_space<semaphore_mem>>) src(%dma_wait3A_95 : memref<128x112xi32, #tpu.memory_space<hbm>>) dst(%dma_wait3A_91 : memref<128x112xi32, #tpu.memory_space<vmem>>)
      tpu.yield
    }) : () -> ()
    %dma_start3A = arith.constant 0 : i32
    %dma_start3A_4 = arith.constant 0 : i32
    %dma_start3A_5 = arith.constant 0 : i32
    %dma_start3A_6 = arith.constant 0 : i32
    %dma_start3A_7 = arith.constant 0 : i32
    %dma_start3A_8 = arith.constant 0 : i32
    %dma_start3A_9 = tpu.memref_slice %arg6[%dma_start3A_5, %dma_start3A_6, %dma_start3A_7, %dma_start3A_8] : memref<2x4x112x64xf32, #tpu.memory_space<vmem>> -> memref<1x1x112x64xf32, #tpu.memory_space<vmem>>
    %dma_start3A_10 = tpu.memref_squeeze %dma_start3A_9 : memref<1x1x112x64xf32, #tpu.memory_space<vmem>> -> memref<112x64xf32, #tpu.memory_space<vmem>>
    %dma_start3A_11 = arith.constant 0 : i32
    %dma_start3A_12 = tpu.memref_slice %arg5[%dma_start3A, %dma_start3A_4, %dma_start3A_11] : memref<2x128x112xi32, #tpu.memory_space<vmem>> -> memref<1x1x112xi32, #tpu.memory_space<vmem>>
    %dma_start3A_13 = tpu.memref_squeeze %dma_start3A_12 : memref<1x1x112xi32, #tpu.memory_space<vmem>> -> memref<112xi32, #tpu.memory_space<vmem>>
    %dma_start3A_14 = arith.constant 0 : i32
    %dma_start3A_15 = arith.constant 0 : i32
    %dma_start3A_16 = tpu.memref_slice %arg2[%dma_start3A_14, %dma_start3A_15] : memref<100000x64xf32, #tpu.memory_space<hbm>> -> memref<100000x64xf32, #tpu.memory_space<hbm>>
    tpu.enqueue_indirect_dma source(%dma_start3A_16 : memref<100000x64xf32, #tpu.memory_space<hbm>>) target(%dma_start3A_10 : memref<112x64xf32, #tpu.memory_space<vmem>>) offsets(%dma_start3A_13 : memref<112xi32, #tpu.memory_space<vmem>>) semaphore(%arg7 : memref<!tpu.dma_semaphore, #tpu.memory_space<semaphore_mem>>)
    %dma_start3A_17 = arith.constant 0 : i32
    %dma_start3A_18 = arith.constant 1 : i32
    %dma_start3A_19 = arith.constant 0 : i32
    %dma_start3A_20 = arith.constant 1 : i32
    %dma_start3A_21 = arith.constant 0 : i32
    %dma_start3A_22 = arith.constant 0 : i32
    %dma_start3A_23 = tpu.memref_slice %arg6[%dma_start3A_19, %dma_start3A_20, %dma_start3A_21, %dma_start3A_22] : memref<2x4x112x64xf32, #tpu.memory_space<vmem>> -> memref<1x1x112x64xf32, #tpu.memory_space<vmem>>
    %dma_start3A_24 = tpu.memref_squeeze %dma_start3A_23 : memref<1x1x112x64xf32, #tpu.memory_space<vmem>> -> memref<112x64xf32, #tpu.memory_space<vmem>>
    %dma_start3A_25 = arith.constant 0 : i32
    %dma_start3A_26 = tpu.memref_slice %arg5[%dma_start3A_17, %dma_start3A_18, %dma_start3A_25] : memref<2x128x112xi32, #tpu.memory_space<vmem>> -> memref<1x1x112xi32, #tpu.memory_space<vmem>>
    %dma_start3A_27 = tpu.memref_squeeze %dma_start3A_26 : memref<1x1x112xi32, #tpu.memory_space<vmem>> -> memref<112xi32, #tpu.memory_space<vmem>>
    %dma_start3A_28 = arith.constant 0 : i32
    %dma_start3A_29 = arith.constant 0 : i32
    %dma_start3A_30 = tpu.memref_slice %arg2[%dma_start3A_28, %dma_start3A_29] : memref<100000x64xf32, #tpu.memory_space<hbm>> -> memref<100000x64xf32, #tpu.memory_space<hbm>>
    tpu.enqueue_indirect_dma source(%dma_start3A_30 : memref<100000x64xf32, #tpu.memory_space<hbm>>) target(%dma_start3A_24 : memref<112x64xf32, #tpu.memory_space<vmem>>) offsets(%dma_start3A_27 : memref<112xi32, #tpu.memory_space<vmem>>) semaphore(%arg7 : memref<!tpu.dma_semaphore, #tpu.memory_space<semaphore_mem>>)
    %dma_start3A_31 = arith.constant 0 : i32
    %dma_start3A_32 = arith.constant 2 : i32
    %dma_start3A_33 = arith.constant 0 : i32
    %dma_start3A_34 = arith.constant 2 : i32
    %dma_start3A_35 = arith.constant 0 : i32
    %dma_start3A_36 = arith.constant 0 : i32
    %dma_start3A_37 = tpu.memref_slice %arg6[%dma_start3A_33, %dma_start3A_34, %dma_start3A_35, %dma_start3A_36] : memref<2x4x112x64xf32, #tpu.memory_space<vmem>> -> memref<1x1x112x64xf32, #tpu.memory_space<vmem>>
    %dma_start3A_38 = tpu.memref_squeeze %dma_start3A_37 : memref<1x1x112x64xf32, #tpu.memory_space<vmem>> -> memref<112x64xf32, #tpu.memory_space<vmem>>
    %dma_start3A_39 = arith.constant 0 : i32
    %dma_start3A_40 = tpu.memref_slice %arg5[%dma_start3A_31, %dma_start3A_32, %dma_start3A_39] : memref<2x128x112xi32, #tpu.memory_space<vmem>> -> memref<1x1x112xi32, #tpu.memory_space<vmem>>
    %dma_start3A_41 = tpu.memref_squeeze %dma_start3A_40 : memref<1x1x112xi32, #tpu.memory_space<vmem>> -> memref<112xi32, #tpu.memory_space<vmem>>
    %dma_start3A_42 = arith.constant 0 : i32
    %dma_start3A_43 = arith.constant 0 : i32
    %dma_start3A_44 = tpu.memref_slice %arg2[%dma_start3A_42, %dma_start3A_43] : memref<100000x64xf32, #tpu.memory_space<hbm>> -> memref<100000x64xf32, #tpu.memory_space<hbm>>
    tpu.enqueue_indirect_dma source(%dma_start3A_44 : memref<100000x64xf32, #tpu.memory_space<hbm>>) target(%dma_start3A_38 : memref<112x64xf32, #tpu.memory_space<vmem>>) offsets(%dma_start3A_41 : memref<112xi32, #tpu.memory_space<vmem>>) semaphore(%arg7 : memref<!tpu.dma_semaphore, #tpu.memory_space<semaphore_mem>>)
    %dma_start3A_45 = arith.constant 0 : i32
    %dma_start3A_46 = arith.constant 3 : i32
    %dma_start3A_47 = arith.constant 0 : i32
    %dma_start3A_48 = arith.constant 3 : i32
    %dma_start3A_49 = arith.constant 0 : i32
    %dma_start3A_50 = arith.constant 0 : i32
    %dma_start3A_51 = tpu.memref_slice %arg6[%dma_start3A_47, %dma_start3A_48, %dma_start3A_49, %dma_start3A_50] : memref<2x4x112x64xf32, #tpu.memory_space<vmem>> -> memref<1x1x112x64xf32, #tpu.memory_space<vmem>>
    %dma_start3A_52 = tpu.memref_squeeze %dma_start3A_51 : memref<1x1x112x64xf32, #tpu.memory_space<vmem>> -> memref<112x64xf32, #tpu.memory_space<vmem>>
    %dma_start3A_53 = arith.constant 0 : i32
    %dma_start3A_54 = tpu.memref_slice %arg5[%dma_start3A_45, %dma_start3A_46, %dma_start3A_53] : memref<2x128x112xi32, #tpu.memory_space<vmem>> -> memref<1x1x112xi32, #tpu.memory_space<vmem>>
    %dma_start3A_55 = tpu.memref_squeeze %dma_start3A_54 : memref<1x1x112xi32, #tpu.memory_space<vmem>> -> memref<112xi32, #tpu.memory_space<vmem>>
    %dma_start3A_56 = arith.constant 0 : i32
    %dma_start3A_57 = arith.constant 0 : i32
    %dma_start3A_58 = tpu.memref_slice %arg2[%dma_start3A_56, %dma_start3A_57] : memref<100000x64xf32, #tpu.memory_space<hbm>> -> memref<100000x64xf32, #tpu.memory_space<hbm>>
    tpu.enqueue_indirect_dma source(%dma_start3A_58 : memref<100000x64xf32, #tpu.memory_space<hbm>>) target(%dma_start3A_52 : memref<112x64xf32, #tpu.memory_space<vmem>>) offsets(%dma_start3A_55 : memref<112xi32, #tpu.memory_space<vmem>>) semaphore(%arg7 : memref<!tpu.dma_semaphore, #tpu.memory_space<semaphore_mem>>)
    %scan3A = arith.constant 0 : i32
    %scan3A_59 = arith.constant 0 : i32
    %scan3A_60 = arith.constant 32 : i32
    %scan3A_61 = arith.addi %scan3A_59, %scan3A_60 : i32
    %scan3A_62 = arith.constant 1 : i32
    scf.for %scan3A_64 = %scan3A_59 to %scan3A_61 step %scan3A_62  : i32 {
      %mul3A_65 = arith.constant 2 : i32
      %mul3A_66 = arith.muli %mul3A_65, %scan3A_64 : i32
      %add3A_67 = arith.constant 1 : i32
      %add3A_68 = arith.addi %mul3A_66, %add3A_67 : i32
      %jit3A = arith.constant 32 : i32
      %div3A = arith.divsi %mul3A_66, %jit3A : i32
      %sign3A = arith.constant 0 : i32
      %sign3A_69 = arith.cmpi sgt, %mul3A_66, %sign3A : i32
      %sign3A_70 = arith.extui %sign3A_69 : i1 to i32
      %sign3A_71 = arith.constant 0 : i32
      %sign3A_72 = arith.cmpi slt, %mul3A_66, %sign3A_71 : i32
      %sign3A_73 = arith.extui %sign3A_72 : i1 to i32
      %sign3A_74 = arith.subi %sign3A_70, %sign3A_73 : i32
      %sign3A_75 = arith.constant 0 : i32
      %sign3A_76 = arith.cmpi sgt, %jit3A, %sign3A_75 : i32
      %sign3A_77 = arith.extui %sign3A_76 : i1 to i32
      %sign3A_78 = arith.constant 0 : i32
      %sign3A_79 = arith.cmpi slt, %jit3A, %sign3A_78 : i32
      %sign3A_80 = arith.extui %sign3A_79 : i1 to i32
      %sign3A_81 = arith.subi %sign3A_77, %sign3A_80 : i32
      %ne3A = arith.cmpi ne, %sign3A_74, %sign3A_81 : i32
      %rem3A = arith.remsi %mul3A_66, %jit3A : i32
      %ne3A_82 = arith.constant 0 : i32
      %ne3A_83 = arith.cmpi ne, %rem3A, %ne3A_82 : i32
      %and3A = arith.andi %ne3A, %ne3A_83 : i1
      %sub3A = arith.constant 1 : i32
      %sub3A_84 = arith.subi %div3A, %sub3A : i32
      %select_n3A = arith.select %and3A, %sub3A_84, %div3A : i32
      %jit3A_85 = arith.constant 32 : i32
      %eq3A = arith.constant 0 : i32
      %eq3A_86 = arith.cmpi eq, %jit3A_85, %eq3A : i32
      %jit3A_87 = arith.constant 1 : i32
      %select_n3A_88 = arith.select %eq3A_86, %jit3A_87, %jit3A_85 : i32
      %rem3A_89 = arith.remsi %mul3A_66, %select_n3A_88 : i32
      %ne3A_90 = arith.constant 0 : i32
      %ne3A_91 = arith.cmpi ne, %rem3A_89, %ne3A_90 : i32
      %lt3A = arith.constant 0 : i32
      %lt3A_92 = arith.cmpi slt, %rem3A_89, %lt3A : i32
      %lt3A_93 = arith.constant 0 : i32
      %lt3A_94 = arith.cmpi slt, %select_n3A_88, %lt3A_93 : i32
      %ne3A_95 = arith.xori %lt3A_92, %lt3A_94 : i1
      %and3A_96 = arith.andi %ne3A_95, %ne3A_91 : i1
      %add3A_97 = arith.addi %rem3A_89, %select_n3A_88 : i32
      %select_n3A_98 = arith.select %and3A_96, %add3A_97, %rem3A_89 : i32
      %mul3A_99 = arith.constant 4 : i32
      %mul3A_100 = arith.muli %select_n3A_98, %mul3A_99 : i32
      %add3A_101 = arith.constant 0 : i32
      %add3A_102 = arith.addi %mul3A_100, %add3A_101 : i32
      %dma_wait3A = arith.constant 0 : i32
      %dma_wait3A_103 = arith.constant 0 : i32
      %dma_wait3A_104 = arith.constant 0 : i32
      %dma_wait3A_105 = arith.constant 0 : i32
      %dma_wait3A_106 = tpu.memref_slice %arg6[%dma_wait3A, %dma_wait3A_103, %dma_wait3A_104, %dma_wait3A_105] : memref<2x4x112x64xf32, #tpu.memory_space<vmem>> -> memref<1x1x112x64xf32, #tpu.memory_space<vmem>>
      %dma_wait3A_107 = tpu.memref_squeeze %dma_wait3A_106 : memref<1x1x112x64xf32, #tpu.memory_space<vmem>> -> memref<112x64xf32, #tpu.memory_space<vmem>>
      %dma_wait3A_108 = arith.constant 0 : i32
      %dma_wait3A_109 = tpu.memref_slice %arg5[%select_n3A, %add3A_102, %dma_wait3A_108] : memref<2x128x112xi32, #tpu.memory_space<vmem>> -> memref<1x1x112xi32, #tpu.memory_space<vmem>>
      %dma_wait3A_110 = tpu.memref_squeeze %dma_wait3A_109 : memref<1x1x112xi32, #tpu.memory_space<vmem>> -> memref<112xi32, #tpu.memory_space<vmem>>
      %dma_wait3A_111 = arith.constant 0 : i32
      %dma_wait3A_112 = arith.constant 0 : i32
      %dma_wait3A_113 = tpu.memref_slice %arg2[%dma_wait3A_111, %dma_wait3A_112] : memref<100000x64xf32, #tpu.memory_space<hbm>> -> memref<100000x64xf32, #tpu.memory_space<hbm>>
      tpu.wait_indirect_dma semaphore(%arg7 : memref<!tpu.dma_semaphore, #tpu.memory_space<semaphore_mem>>) src(%dma_wait3A_113 : memref<100000x64xf32, #tpu.memory_space<hbm>>) dst(%dma_wait3A_107 : memref<112x64xf32, #tpu.memory_space<vmem>>)
      %mul3A_114 = arith.constant 4 : i32
      %mul3A_115 = arith.muli %select_n3A_98, %mul3A_114 : i32
      %add3A_116 = arith.constant 1 : i32
      %add3A_117 = arith.addi %mul3A_115, %add3A_116 : i32
      %dma_wait3A_118 = arith.constant 0 : i32
      %dma_wait3A_119 = arith.constant 1 : i32
      %dma_wait3A_120 = arith.constant 0 : i32
      %dma_wait3A_121 = arith.constant 0 : i32
      %dma_wait3A_122 = tpu.memref_slice %arg6[%dma_wait3A_118, %dma_wait3A_119, %dma_wait3A_120, %dma_wait3A_121] : memref<2x4x112x64xf32, #tpu.memory_space<vmem>> -> memref<1x1x112x64xf32, #tpu.memory_space<vmem>>
      %dma_wait3A_123 = tpu.memref_squeeze %dma_wait3A_122 : memref<1x1x112x64xf32, #tpu.memory_space<vmem>> -> memref<112x64xf32, #tpu.memory_space<vmem>>
      %dma_wait3A_124 = arith.constant 0 : i32
      %dma_wait3A_125 = tpu.memref_slice %arg5[%select_n3A, %add3A_117, %dma_wait3A_124] : memref<2x128x112xi32, #tpu.memory_space<vmem>> -> memref<1x1x112xi32, #tpu.memory_space<vmem>>
      %dma_wait3A_126 = tpu.memref_squeeze %dma_wait3A_125 : memref<1x1x112xi32, #tpu.memory_space<vmem>> -> memref<112xi32, #tpu.memory_space<vmem>>
      %dma_wait3A_127 = arith.constant 0 : i32
      %dma_wait3A_128 = arith.constant 0 : i32
      %dma_wait3A_129 = tpu.memref_slice %arg2[%dma_wait3A_127, %dma_wait3A_128] : memref<100000x64xf32, #tpu.memory_space<hbm>> -> memref<100000x64xf32, #tpu.memory_space<hbm>>
      tpu.wait_indirect_dma semaphore(%arg7 : memref<!tpu.dma_semaphore, #tpu.memory_space<semaphore_mem>>) src(%dma_wait3A_129 : memref<100000x64xf32, #tpu.memory_space<hbm>>) dst(%dma_wait3A_123 : memref<112x64xf32, #tpu.memory_space<vmem>>)
      %mul3A_130 = arith.constant 4 : i32
      %mul3A_131 = arith.muli %select_n3A_98, %mul3A_130 : i32
      %add3A_132 = arith.constant 2 : i32
      %add3A_133 = arith.addi %mul3A_131, %add3A_132 : i32
      %dma_wait3A_134 = arith.constant 0 : i32
      %dma_wait3A_135 = arith.constant 2 : i32
      %dma_wait3A_136 = arith.constant 0 : i32
      %dma_wait3A_137 = arith.constant 0 : i32
      %dma_wait3A_138 = tpu.memref_slice %arg6[%dma_wait3A_134, %dma_wait3A_135, %dma_wait3A_136, %dma_wait3A_137] : memref<2x4x112x64xf32, #tpu.memory_space<vmem>> -> memref<1x1x112x64xf32, #tpu.memory_space<vmem>>
      %dma_wait3A_139 = tpu.memref_squeeze %dma_wait3A_138 : memref<1x1x112x64xf32, #tpu.memory_space<vmem>> -> memref<112x64xf32, #tpu.memory_space<vmem>>
      %dma_wait3A_140 = arith.constant 0 : i32
      %dma_wait3A_141 = tpu.memref_slice %arg5[%select_n3A, %add3A_133, %dma_wait3A_140] : memref<2x128x112xi32, #tpu.memory_space<vmem>> -> memref<1x1x112xi32, #tpu.memory_space<vmem>>
      %dma_wait3A_142 = tpu.memref_squeeze %dma_wait3A_141 : memref<1x1x112xi32, #tpu.memory_space<vmem>> -> memref<112xi32, #tpu.memory_space<vmem>>
      %dma_wait3A_143 = arith.constant 0 : i32
      %dma_wait3A_144 = arith.constant 0 : i32
      %dma_wait3A_145 = tpu.memref_slice %arg2[%dma_wait3A_143, %dma_wait3A_144] : memref<100000x64xf32, #tpu.memory_space<hbm>> -> memref<100000x64xf32, #tpu.memory_space<hbm>>
      tpu.wait_indirect_dma semaphore(%arg7 : memref<!tpu.dma_semaphore, #tpu.memory_space<semaphore_mem>>) src(%dma_wait3A_145 : memref<100000x64xf32, #tpu.memory_space<hbm>>) dst(%dma_wait3A_139 : memref<112x64xf32, #tpu.memory_space<vmem>>)
      %mul3A_146 = arith.constant 4 : i32
      %mul3A_147 = arith.muli %select_n3A_98, %mul3A_146 : i32
      %add3A_148 = arith.constant 3 : i32
      %add3A_149 = arith.addi %mul3A_147, %add3A_148 : i32
      %dma_wait3A_150 = arith.constant 0 : i32
      %dma_wait3A_151 = arith.constant 3 : i32
      %dma_wait3A_152 = arith.constant 0 : i32
      %dma_wait3A_153 = arith.constant 0 : i32
      %dma_wait3A_154 = tpu.memref_slice %arg6[%dma_wait3A_150, %dma_wait3A_151, %dma_wait3A_152, %dma_wait3A_153] : memref<2x4x112x64xf32, #tpu.memory_space<vmem>> -> memref<1x1x112x64xf32, #tpu.memory_space<vmem>>
      %dma_wait3A_155 = tpu.memref_squeeze %dma_wait3A_154 : memref<1x1x112x64xf32, #tpu.memory_space<vmem>> -> memref<112x64xf32, #tpu.memory_space<vmem>>
      %dma_wait3A_156 = arith.constant 0 : i32
      %dma_wait3A_157 = tpu.memref_slice %arg5[%select_n3A, %add3A_149, %dma_wait3A_156] : memref<2x128x112xi32, #tpu.memory_space<vmem>> -> memref<1x1x112xi32, #tpu.memory_space<vmem>>
      %dma_wait3A_158 = tpu.memref_squeeze %dma_wait3A_157 : memref<1x1x112xi32, #tpu.memory_space<vmem>> -> memref<112xi32, #tpu.memory_space<vmem>>
      %dma_wait3A_159 = arith.constant 0 : i32
      %dma_wait3A_160 = arith.constant 0 : i32
      %dma_wait3A_161 = tpu.memref_slice %arg2[%dma_wait3A_159, %dma_wait3A_160] : memref<100000x64xf32, #tpu.memory_space<hbm>> -> memref<100000x64xf32, #tpu.memory_space<hbm>>
      tpu.wait_indirect_dma semaphore(%arg7 : memref<!tpu.dma_semaphore, #tpu.memory_space<semaphore_mem>>) src(%dma_wait3A_161 : memref<100000x64xf32, #tpu.memory_space<hbm>>) dst(%dma_wait3A_155 : memref<112x64xf32, #tpu.memory_space<vmem>>)
      %jit3A_162 = arith.constant 32 : i32
      %div3A_163 = arith.divsi %add3A_68, %jit3A_162 : i32
      %sign3A_164 = arith.constant 0 : i32
      %sign3A_165 = arith.cmpi sgt, %add3A_68, %sign3A_164 : i32
      %sign3A_166 = arith.extui %sign3A_165 : i1 to i32
      %sign3A_167 = arith.constant 0 : i32
      %sign3A_168 = arith.cmpi slt, %add3A_68, %sign3A_167 : i32
      %sign3A_169 = arith.extui %sign3A_168 : i1 to i32
      %sign3A_170 = arith.subi %sign3A_166, %sign3A_169 : i32
      %sign3A_171 = arith.constant 0 : i32
      %sign3A_172 = arith.cmpi sgt, %jit3A_162, %sign3A_171 : i32
      %sign3A_173 = arith.extui %sign3A_172 : i1 to i32
      %sign3A_174 = arith.constant 0 : i32
      %sign3A_175 = arith.cmpi slt, %jit3A_162, %sign3A_174 : i32
      %sign3A_176 = arith.extui %sign3A_175 : i1 to i32
      %sign3A_177 = arith.subi %sign3A_173, %sign3A_176 : i32
      %ne3A_178 = arith.cmpi ne, %sign3A_170, %sign3A_177 : i32
      %rem3A_179 = arith.remsi %add3A_68, %jit3A_162 : i32
      %ne3A_180 = arith.constant 0 : i32
      %ne3A_181 = arith.cmpi ne, %rem3A_179, %ne3A_180 : i32
      %and3A_182 = arith.andi %ne3A_178, %ne3A_181 : i1
      %sub3A_183 = arith.constant 1 : i32
      %sub3A_184 = arith.subi %div3A_163, %sub3A_183 : i32
      %select_n3A_185 = arith.select %and3A_182, %sub3A_184, %div3A_163 : i32
      %jit3A_186 = arith.constant 32 : i32
      %eq3A_187 = arith.constant 0 : i32
      %eq3A_188 = arith.cmpi eq, %jit3A_186, %eq3A_187 : i32
      %jit3A_189 = arith.constant 1 : i32
      %select_n3A_190 = arith.select %eq3A_188, %jit3A_189, %jit3A_186 : i32
      %rem3A_191 = arith.remsi %add3A_68, %select_n3A_190 : i32
      %ne3A_192 = arith.constant 0 : i32
      %ne3A_193 = arith.cmpi ne, %rem3A_191, %ne3A_192 : i32
      %lt3A_194 = arith.constant 0 : i32
      %lt3A_195 = arith.cmpi slt, %rem3A_191, %lt3A_194 : i32
      %lt3A_196 = arith.constant 0 : i32
      %lt3A_197 = arith.cmpi slt, %select_n3A_190, %lt3A_196 : i32
      %ne3A_198 = arith.xori %lt3A_195, %lt3A_197 : i1
      %and3A_199 = arith.andi %ne3A_198, %ne3A_193 : i1
      %add3A_200 = arith.addi %rem3A_191, %select_n3A_190 : i32
      %select_n3A_201 = arith.select %and3A_199, %add3A_200, %rem3A_191 : i32
      %mul3A_202 = arith.constant 4 : i32
      %mul3A_203 = arith.muli %select_n3A_201, %mul3A_202 : i32
      %add3A_204 = arith.constant 0 : i32
      %add3A_205 = arith.addi %mul3A_203, %add3A_204 : i32
      %dma_start3A_206 = arith.constant 1 : i32
      %dma_start3A_207 = arith.constant 0 : i32
      %dma_start3A_208 = arith.constant 0 : i32
      %dma_start3A_209 = arith.constant 0 : i32
      %dma_start3A_210 = tpu.memref_slice %arg6[%dma_start3A_206, %dma_start3A_207, %dma_start3A_208, %dma_start3A_209] : memref<2x4x112x64xf32, #tpu.memory_space<vmem>> -> memref<1x1x112x64xf32, #tpu.memory_space<vmem>>
      %dma_start3A_211 = tpu.memref_squeeze %dma_start3A_210 : memref<1x1x112x64xf32, #tpu.memory_space<vmem>> -> memref<112x64xf32, #tpu.memory_space<vmem>>
      %dma_start3A_212 = arith.constant 0 : i32
      %dma_start3A_213 = tpu.memref_slice %arg5[%select_n3A_185, %add3A_205, %dma_start3A_212] : memref<2x128x112xi32, #tpu.memory_space<vmem>> -> memref<1x1x112xi32, #tpu.memory_space<vmem>>
      %dma_start3A_214 = tpu.memref_squeeze %dma_start3A_213 : memref<1x1x112xi32, #tpu.memory_space<vmem>> -> memref<112xi32, #tpu.memory_space<vmem>>
      %dma_start3A_215 = arith.constant 0 : i32
      %dma_start3A_216 = arith.constant 0 : i32
      %dma_start3A_217 = tpu.memref_slice %arg2[%dma_start3A_215, %dma_start3A_216] : memref<100000x64xf32, #tpu.memory_space<hbm>> -> memref<100000x64xf32, #tpu.memory_space<hbm>>
      tpu.enqueue_indirect_dma source(%dma_start3A_217 : memref<100000x64xf32, #tpu.memory_space<hbm>>) target(%dma_start3A_211 : memref<112x64xf32, #tpu.memory_space<vmem>>) offsets(%dma_start3A_214 : memref<112xi32, #tpu.memory_space<vmem>>) semaphore(%arg7 : memref<!tpu.dma_semaphore, #tpu.memory_space<semaphore_mem>>)
      %mul3A_218 = arith.constant 4 : i32
      %mul3A_219 = arith.muli %select_n3A_201, %mul3A_218 : i32
      %add3A_220 = arith.constant 1 : i32
      %add3A_221 = arith.addi %mul3A_219, %add3A_220 : i32
      %dma_start3A_222 = arith.constant 1 : i32
      %dma_start3A_223 = arith.constant 1 : i32
      %dma_start3A_224 = arith.constant 0 : i32
      %dma_start3A_225 = arith.constant 0 : i32
      %dma_start3A_226 = tpu.memref_slice %arg6[%dma_start3A_222, %dma_start3A_223, %dma_start3A_224, %dma_start3A_225] : memref<2x4x112x64xf32, #tpu.memory_space<vmem>> -> memref<1x1x112x64xf32, #tpu.memory_space<vmem>>
      %dma_start3A_227 = tpu.memref_squeeze %dma_start3A_226 : memref<1x1x112x64xf32, #tpu.memory_space<vmem>> -> memref<112x64xf32, #tpu.memory_space<vmem>>
      %dma_start3A_228 = arith.constant 0 : i32
      %dma_start3A_229 = tpu.memref_slice %arg5[%select_n3A_185, %add3A_221, %dma_start3A_228] : memref<2x128x112xi32, #tpu.memory_space<vmem>> -> memref<1x1x112xi32, #tpu.memory_space<vmem>>
      %dma_start3A_230 = tpu.memref_squeeze %dma_start3A_229 : memref<1x1x112xi32, #tpu.memory_space<vmem>> -> memref<112xi32, #tpu.memory_space<vmem>>
      %dma_start3A_231 = arith.constant 0 : i32
      %dma_start3A_232 = arith.constant 0 : i32
      %dma_start3A_233 = tpu.memref_slice %arg2[%dma_start3A_231, %dma_start3A_232] : memref<100000x64xf32, #tpu.memory_space<hbm>> -> memref<100000x64xf32, #tpu.memory_space<hbm>>
      tpu.enqueue_indirect_dma source(%dma_start3A_233 : memref<100000x64xf32, #tpu.memory_space<hbm>>) target(%dma_start3A_227 : memref<112x64xf32, #tpu.memory_space<vmem>>) offsets(%dma_start3A_230 : memref<112xi32, #tpu.memory_space<vmem>>) semaphore(%arg7 : memref<!tpu.dma_semaphore, #tpu.memory_space<semaphore_mem>>)
      %mul3A_234 = arith.constant 4 : i32
      %mul3A_235 = arith.muli %select_n3A_201, %mul3A_234 : i32
      %add3A_236 = arith.constant 2 : i32
      %add3A_237 = arith.addi %mul3A_235, %add3A_236 : i32
      %dma_start3A_238 = arith.constant 1 : i32
      %dma_start3A_239 = arith.constant 2 : i32
      %dma_start3A_240 = arith.constant 0 : i32
      %dma_start3A_241 = arith.constant 0 : i32
      %dma_start3A_242 = tpu.memref_slice %arg6[%dma_start3A_238, %dma_start3A_239, %dma_start3A_240, %dma_start3A_241] : memref<2x4x112x64xf32, #tpu.memory_space<vmem>> -> memref<1x1x112x64xf32, #tpu.memory_space<vmem>>
      %dma_start3A_243 = tpu.memref_squeeze %dma_start3A_242 : memref<1x1x112x64xf32, #tpu.memory_space<vmem>> -> memref<112x64xf32, #tpu.memory_space<vmem>>
      %dma_start3A_244 = arith.constant 0 : i32
      %dma_start3A_245 = tpu.memref_slice %arg5[%select_n3A_185, %add3A_237, %dma_start3A_244] : memref<2x128x112xi32, #tpu.memory_space<vmem>> -> memref<1x1x112xi32, #tpu.memory_space<vmem>>
      %dma_start3A_246 = tpu.memref_squeeze %dma_start3A_245 : memref<1x1x112xi32, #tpu.memory_space<vmem>> -> memref<112xi32, #tpu.memory_space<vmem>>
      %dma_start3A_247 = arith.constant 0 : i32
      %dma_start3A_248 = arith.constant 0 : i32
      %dma_start3A_249 = tpu.memref_slice %arg2[%dma_start3A_247, %dma_start3A_248] : memref<100000x64xf32, #tpu.memory_space<hbm>> -> memref<100000x64xf32, #tpu.memory_space<hbm>>
      tpu.enqueue_indirect_dma source(%dma_start3A_249 : memref<100000x64xf32, #tpu.memory_space<hbm>>) target(%dma_start3A_243 : memref<112x64xf32, #tpu.memory_space<vmem>>) offsets(%dma_start3A_246 : memref<112xi32, #tpu.memory_space<vmem>>) semaphore(%arg7 : memref<!tpu.dma_semaphore, #tpu.memory_space<semaphore_mem>>)
      %mul3A_250 = arith.constant 4 : i32
      %mul3A_251 = arith.muli %select_n3A_201, %mul3A_250 : i32
      %add3A_252 = arith.constant 3 : i32
      %add3A_253 = arith.addi %mul3A_251, %add3A_252 : i32
      %dma_start3A_254 = arith.constant 1 : i32
      %dma_start3A_255 = arith.constant 3 : i32
      %dma_start3A_256 = arith.constant 0 : i32
      %dma_start3A_257 = arith.constant 0 : i32
      %dma_start3A_258 = tpu.memref_slice %arg6[%dma_start3A_254, %dma_start3A_255, %dma_start3A_256, %dma_start3A_257] : memref<2x4x112x64xf32, #tpu.memory_space<vmem>> -> memref<1x1x112x64xf32, #tpu.memory_space<vmem>>
      %dma_start3A_259 = tpu.memref_squeeze %dma_start3A_258 : memref<1x1x112x64xf32, #tpu.memory_space<vmem>> -> memref<112x64xf32, #tpu.memory_space<vmem>>
      %dma_start3A_260 = arith.constant 0 : i32
      %dma_start3A_261 = tpu.memref_slice %arg5[%select_n3A_185, %add3A_253, %dma_start3A_260] : memref<2x128x112xi32, #tpu.memory_space<vmem>> -> memref<1x1x112xi32, #tpu.memory_space<vmem>>
      %dma_start3A_262 = tpu.memref_squeeze %dma_start3A_261 : memref<1x1x112xi32, #tpu.memory_space<vmem>> -> memref<112xi32, #tpu.memory_space<vmem>>
      %dma_start3A_263 = arith.constant 0 : i32
      %dma_start3A_264 = arith.constant 0 : i32
      %dma_start3A_265 = tpu.memref_slice %arg2[%dma_start3A_263, %dma_start3A_264] : memref<100000x64xf32, #tpu.memory_space<hbm>> -> memref<100000x64xf32, #tpu.memory_space<hbm>>
      tpu.enqueue_indirect_dma source(%dma_start3A_265 : memref<100000x64xf32, #tpu.memory_space<hbm>>) target(%dma_start3A_259 : memref<112x64xf32, #tpu.memory_space<vmem>>) offsets(%dma_start3A_262 : memref<112xi32, #tpu.memory_space<vmem>>) semaphore(%arg7 : memref<!tpu.dma_semaphore, #tpu.memory_space<semaphore_mem>>)
      %jit3A_266 = arith.constant 32 : i32
      %div3A_267 = arith.divsi %mul3A_66, %jit3A_266 : i32
      %sign3A_268 = arith.constant 0 : i32
      %sign3A_269 = arith.cmpi sgt, %mul3A_66, %sign3A_268 : i32
      %sign3A_270 = arith.extui %sign3A_269 : i1 to i32
      %sign3A_271 = arith.constant 0 : i32
      %sign3A_272 = arith.cmpi slt, %mul3A_66, %sign3A_271 : i32
      %sign3A_273 = arith.extui %sign3A_272 : i1 to i32
      %sign3A_274 = arith.subi %sign3A_270, %sign3A_273 : i32
      %sign3A_275 = arith.constant 0 : i32
      %sign3A_276 = arith.cmpi sgt, %jit3A_266, %sign3A_275 : i32
      %sign3A_277 = arith.extui %sign3A_276 : i1 to i32
      %sign3A_278 = arith.constant 0 : i32
      %sign3A_279 = arith.cmpi slt, %jit3A_266, %sign3A_278 : i32
      %sign3A_280 = arith.extui %sign3A_279 : i1 to i32
      %sign3A_281 = arith.subi %sign3A_277, %sign3A_280 : i32
      %ne3A_282 = arith.cmpi ne, %sign3A_274, %sign3A_281 : i32
      %rem3A_283 = arith.remsi %mul3A_66, %jit3A_266 : i32
      %ne3A_284 = arith.constant 0 : i32
      %ne3A_285 = arith.cmpi ne, %rem3A_283, %ne3A_284 : i32
      %and3A_286 = arith.andi %ne3A_282, %ne3A_285 : i1
      %sub3A_287 = arith.constant 1 : i32
      %sub3A_288 = arith.subi %div3A_267, %sub3A_287 : i32
      %select_n3A_289 = arith.select %and3A_286, %sub3A_288, %div3A_267 : i32
      %jit3A_290 = arith.constant 32 : i32
      %eq3A_291 = arith.constant 0 : i32
      %eq3A_292 = arith.cmpi eq, %jit3A_290, %eq3A_291 : i32
      %jit3A_293 = arith.constant 1 : i32
      %select_n3A_294 = arith.select %eq3A_292, %jit3A_293, %jit3A_290 : i32
      %rem3A_295 = arith.remsi %mul3A_66, %select_n3A_294 : i32
      %ne3A_296 = arith.constant 0 : i32
      %ne3A_297 = arith.cmpi ne, %rem3A_295, %ne3A_296 : i32
      %lt3A_298 = arith.constant 0 : i32
      %lt3A_299 = arith.cmpi slt, %rem3A_295, %lt3A_298 : i32
      %lt3A_300 = arith.constant 0 : i32
      %lt3A_301 = arith.cmpi slt, %select_n3A_294, %lt3A_300 : i32
      %ne3A_302 = arith.xori %lt3A_299, %lt3A_301 : i1
      %and3A_303 = arith.andi %ne3A_302, %ne3A_297 : i1
      %add3A_304 = arith.addi %rem3A_295, %select_n3A_294 : i32
      %select_n3A_305 = arith.select %and3A_303, %add3A_304, %rem3A_295 : i32
      %dma_start3A_306 = arith.constant 0 : i32
      %dma_start3A_307 = arith.constant 0 : i32
      %dma_start3A_308 = arith.constant 0 : i32
      %dma_start3A_309 = arith.constant 0 : i32
      %dma_start3A_310 = tpu.memref_slice %arg6[%dma_start3A_306, %dma_start3A_307, %dma_start3A_308, %dma_start3A_309] : memref<2x4x112x64xf32, #tpu.memory_space<vmem>> -> memref<1x4x112x64xf32, #tpu.memory_space<vmem>>
      %dma_start3A_311 = tpu.memref_squeeze %dma_start3A_310 : memref<1x4x112x64xf32, #tpu.memory_space<vmem>> -> memref<4x112x64xf32, #tpu.memory_space<vmem>>
      %dma_start3A_312 = arith.constant 0 : i32
      %dma_start3A_313 = arith.constant 0 : i32
      %dma_start3A_314 = arith.constant 0 : i32
      %dma_start3A_315 = tpu.memref_slice %arg4[%select_n3A_289, %add3A, %select_n3A_305, %dma_start3A_312, %dma_start3A_313, %dma_start3A_314] : memref<2x32x32x4x112x64xf32, #tpu.memory_space<hbm>> -> memref<1x1x1x4x112x64xf32, #tpu.memory_space<hbm>>
      %dma_start3A_316 = tpu.memref_squeeze %dma_start3A_315 : memref<1x1x1x4x112x64xf32, #tpu.memory_space<hbm>> -> memref<4x112x64xf32, #tpu.memory_space<hbm>>
      %dma_start3A_317 = arith.constant 0 : i32
      %dma_start3A_318 = arith.constant 0 : i32
      %dma_start3A_319 = arith.constant 0 : i32
      %dma_start3A_320 = tpu.memref_slice %arg4[%select_n3A_289, %add3A, %select_n3A_305, %dma_start3A_317, %dma_start3A_318, %dma_start3A_319] : memref<2x32x32x4x112x64xf32, #tpu.memory_space<hbm>> -> memref<1x1x1x4x112x64xf32, #tpu.memory_space<hbm>>
      %dma_start3A_321 = tpu.memref_squeeze %dma_start3A_320 : memref<1x1x1x4x112x64xf32, #tpu.memory_space<hbm>> -> memref<4x112x64xf32, #tpu.memory_space<hbm>>
      %dma_start3A_322 = arith.constant 0 : i32
      %dma_start3A_323 = arith.constant 0 : i32
      %dma_start3A_324 = arith.constant 0 : i32
      %dma_start3A_325 = tpu.memref_slice %arg6[%dma_start3A_306, %dma_start3A_322, %dma_start3A_323, %dma_start3A_324] : memref<2x4x112x64xf32, #tpu.memory_space<vmem>> -> memref<1x4x112x64xf32, #tpu.memory_space<vmem>>
      %dma_start3A_326 = tpu.memref_squeeze %dma_start3A_325 : memref<1x4x112x64xf32, #tpu.memory_space<vmem>> -> memref<4x112x64xf32, #tpu.memory_space<vmem>>
      tpu.enqueue_dma source(%dma_start3A_326 : memref<4x112x64xf32, #tpu.memory_space<vmem>>) target(%dma_start3A_321 : memref<4x112x64xf32, #tpu.memory_space<hbm>>) target_semaphore(%arg8 : memref<!tpu.dma_semaphore, #tpu.memory_space<semaphore_mem>>)
      %jit3A_327 = arith.constant 32 : i32
      %div3A_328 = arith.divsi %add3A_68, %jit3A_327 : i32
      %sign3A_329 = arith.constant 0 : i32
      %sign3A_330 = arith.cmpi sgt, %add3A_68, %sign3A_329 : i32
      %sign3A_331 = arith.extui %sign3A_330 : i1 to i32
      %sign3A_332 = arith.constant 0 : i32
      %sign3A_333 = arith.cmpi slt, %add3A_68, %sign3A_332 : i32
      %sign3A_334 = arith.extui %sign3A_333 : i1 to i32
      %sign3A_335 = arith.subi %sign3A_331, %sign3A_334 : i32
      %sign3A_336 = arith.constant 0 : i32
      %sign3A_337 = arith.cmpi sgt, %jit3A_327, %sign3A_336 : i32
      %sign3A_338 = arith.extui %sign3A_337 : i1 to i32
      %sign3A_339 = arith.constant 0 : i32
      %sign3A_340 = arith.cmpi slt, %jit3A_327, %sign3A_339 : i32
      %sign3A_341 = arith.extui %sign3A_340 : i1 to i32
      %sign3A_342 = arith.subi %sign3A_338, %sign3A_341 : i32
      %ne3A_343 = arith.cmpi ne, %sign3A_335, %sign3A_342 : i32
      %rem3A_344 = arith.remsi %add3A_68, %jit3A_327 : i32
      %ne3A_345 = arith.constant 0 : i32
      %ne3A_346 = arith.cmpi ne, %rem3A_344, %ne3A_345 : i32
      %and3A_347 = arith.andi %ne3A_343, %ne3A_346 : i1
      %sub3A_348 = arith.constant 1 : i32
      %sub3A_349 = arith.subi %div3A_328, %sub3A_348 : i32
      %select_n3A_350 = arith.select %and3A_347, %sub3A_349, %div3A_328 : i32
      %jit3A_351 = arith.constant 32 : i32
      %eq3A_352 = arith.constant 0 : i32
      %eq3A_353 = arith.cmpi eq, %jit3A_351, %eq3A_352 : i32
      %jit3A_354 = arith.constant 1 : i32
      %select_n3A_355 = arith.select %eq3A_353, %jit3A_354, %jit3A_351 : i32
      %rem3A_356 = arith.remsi %add3A_68, %select_n3A_355 : i32
      %ne3A_357 = arith.constant 0 : i32
      %ne3A_358 = arith.cmpi ne, %rem3A_356, %ne3A_357 : i32
      %lt3A_359 = arith.constant 0 : i32
      %lt3A_360 = arith.cmpi slt, %rem3A_356, %lt3A_359 : i32
      %lt3A_361 = arith.constant 0 : i32
      %lt3A_362 = arith.cmpi slt, %select_n3A_355, %lt3A_361 : i32
      %ne3A_363 = arith.xori %lt3A_360, %lt3A_362 : i1
      %and3A_364 = arith.andi %ne3A_363, %ne3A_358 : i1
      %add3A_365 = arith.addi %rem3A_356, %select_n3A_355 : i32
      %select_n3A_366 = arith.select %and3A_364, %add3A_365, %rem3A_356 : i32
      %mul3A_367 = arith.constant 4 : i32
      %mul3A_368 = arith.muli %select_n3A_366, %mul3A_367 : i32
      %add3A_369 = arith.constant 0 : i32
      %add3A_370 = arith.addi %mul3A_368, %add3A_369 : i32
      %dma_wait3A_371 = arith.constant 1 : i32
      %dma_wait3A_372 = arith.constant 0 : i32
      %dma_wait3A_373 = arith.constant 0 : i32
      %dma_wait3A_374 = arith.constant 0 : i32
      %dma_wait3A_375 = tpu.memref_slice %arg6[%dma_wait3A_371, %dma_wait3A_372, %dma_wait3A_373, %dma_wait3A_374] : memref<2x4x112x64xf32, #tpu.memory_space<vmem>> -> memref<1x1x112x64xf32, #tpu.memory_space<vmem>>
      %dma_wait3A_376 = tpu.memref_squeeze %dma_wait3A_375 : memref<1x1x112x64xf32, #tpu.memory_space<vmem>> -> memref<112x64xf32, #tpu.memory_space<vmem>>
      %dma_wait3A_377 = arith.constant 0 : i32
      %dma_wait3A_378 = tpu.memref_slice %arg5[%select_n3A_350, %add3A_370, %dma_wait3A_377] : memref<2x128x112xi32, #tpu.memory_space<vmem>> -> memref<1x1x112xi32, #tpu.memory_space<vmem>>
      %dma_wait3A_379 = tpu.memref_squeeze %dma_wait3A_378 : memref<1x1x112xi32, #tpu.memory_space<vmem>> -> memref<112xi32, #tpu.memory_space<vmem>>
      %dma_wait3A_380 = arith.constant 0 : i32
      %dma_wait3A_381 = arith.constant 0 : i32
      %dma_wait3A_382 = tpu.memref_slice %arg2[%dma_wait3A_380, %dma_wait3A_381] : memref<100000x64xf32, #tpu.memory_space<hbm>> -> memref<100000x64xf32, #tpu.memory_space<hbm>>
      tpu.wait_indirect_dma semaphore(%arg7 : memref<!tpu.dma_semaphore, #tpu.memory_space<semaphore_mem>>) src(%dma_wait3A_382 : memref<100000x64xf32, #tpu.memory_space<hbm>>) dst(%dma_wait3A_376 : memref<112x64xf32, #tpu.memory_space<vmem>>)
      %mul3A_383 = arith.constant 4 : i32
      %mul3A_384 = arith.muli %select_n3A_366, %mul3A_383 : i32
      %add3A_385 = arith.constant 1 : i32
      %add3A_386 = arith.addi %mul3A_384, %add3A_385 : i32
      %dma_wait3A_387 = arith.constant 1 : i32
      %dma_wait3A_388 = arith.constant 1 : i32
      %dma_wait3A_389 = arith.constant 0 : i32
      %dma_wait3A_390 = arith.constant 0 : i32
      %dma_wait3A_391 = tpu.memref_slice %arg6[%dma_wait3A_387, %dma_wait3A_388, %dma_wait3A_389, %dma_wait3A_390] : memref<2x4x112x64xf32, #tpu.memory_space<vmem>> -> memref<1x1x112x64xf32, #tpu.memory_space<vmem>>
      %dma_wait3A_392 = tpu.memref_squeeze %dma_wait3A_391 : memref<1x1x112x64xf32, #tpu.memory_space<vmem>> -> memref<112x64xf32, #tpu.memory_space<vmem>>
      %dma_wait3A_393 = arith.constant 0 : i32
      %dma_wait3A_394 = tpu.memref_slice %arg5[%select_n3A_350, %add3A_386, %dma_wait3A_393] : memref<2x128x112xi32, #tpu.memory_space<vmem>> -> memref<1x1x112xi32, #tpu.memory_space<vmem>>
      %dma_wait3A_395 = tpu.memref_squeeze %dma_wait3A_394 : memref<1x1x112xi32, #tpu.memory_space<vmem>> -> memref<112xi32, #tpu.memory_space<vmem>>
      %dma_wait3A_396 = arith.constant 0 : i32
      %dma_wait3A_397 = arith.constant 0 : i32
      %dma_wait3A_398 = tpu.memref_slice %arg2[%dma_wait3A_396, %dma_wait3A_397] : memref<100000x64xf32, #tpu.memory_space<hbm>> -> memref<100000x64xf32, #tpu.memory_space<hbm>>
      tpu.wait_indirect_dma semaphore(%arg7 : memref<!tpu.dma_semaphore, #tpu.memory_space<semaphore_mem>>) src(%dma_wait3A_398 : memref<100000x64xf32, #tpu.memory_space<hbm>>) dst(%dma_wait3A_392 : memref<112x64xf32, #tpu.memory_space<vmem>>)
      %mul3A_399 = arith.constant 4 : i32
      %mul3A_400 = arith.muli %select_n3A_366, %mul3A_399 : i32
      %add3A_401 = arith.constant 2 : i32
      %add3A_402 = arith.addi %mul3A_400, %add3A_401 : i32
      %dma_wait3A_403 = arith.constant 1 : i32
      %dma_wait3A_404 = arith.constant 2 : i32
      %dma_wait3A_405 = arith.constant 0 : i32
      %dma_wait3A_406 = arith.constant 0 : i32
      %dma_wait3A_407 = tpu.memref_slice %arg6[%dma_wait3A_403, %dma_wait3A_404, %dma_wait3A_405, %dma_wait3A_406] : memref<2x4x112x64xf32, #tpu.memory_space<vmem>> -> memref<1x1x112x64xf32, #tpu.memory_space<vmem>>
      %dma_wait3A_408 = tpu.memref_squeeze %dma_wait3A_407 : memref<1x1x112x64xf32, #tpu.memory_space<vmem>> -> memref<112x64xf32, #tpu.memory_space<vmem>>
      %dma_wait3A_409 = arith.constant 0 : i32
      %dma_wait3A_410 = tpu.memref_slice %arg5[%select_n3A_350, %add3A_402, %dma_wait3A_409] : memref<2x128x112xi32, #tpu.memory_space<vmem>> -> memref<1x1x112xi32, #tpu.memory_space<vmem>>
      %dma_wait3A_411 = tpu.memref_squeeze %dma_wait3A_410 : memref<1x1x112xi32, #tpu.memory_space<vmem>> -> memref<112xi32, #tpu.memory_space<vmem>>
      %dma_wait3A_412 = arith.constant 0 : i32
      %dma_wait3A_413 = arith.constant 0 : i32
      %dma_wait3A_414 = tpu.memref_slice %arg2[%dma_wait3A_412, %dma_wait3A_413] : memref<100000x64xf32, #tpu.memory_space<hbm>> -> memref<100000x64xf32, #tpu.memory_space<hbm>>
      tpu.wait_indirect_dma semaphore(%arg7 : memref<!tpu.dma_semaphore, #tpu.memory_space<semaphore_mem>>) src(%dma_wait3A_414 : memref<100000x64xf32, #tpu.memory_space<hbm>>) dst(%dma_wait3A_408 : memref<112x64xf32, #tpu.memory_space<vmem>>)
      %mul3A_415 = arith.constant 4 : i32
      %mul3A_416 = arith.muli %select_n3A_366, %mul3A_415 : i32
      %add3A_417 = arith.constant 3 : i32
      %add3A_418 = arith.addi %mul3A_416, %add3A_417 : i32
      %dma_wait3A_419 = arith.constant 1 : i32
      %dma_wait3A_420 = arith.constant 3 : i32
      %dma_wait3A_421 = arith.constant 0 : i32
      %dma_wait3A_422 = arith.constant 0 : i32
      %dma_wait3A_423 = tpu.memref_slice %arg6[%dma_wait3A_419, %dma_wait3A_420, %dma_wait3A_421, %dma_wait3A_422] : memref<2x4x112x64xf32, #tpu.memory_space<vmem>> -> memref<1x1x112x64xf32, #tpu.memory_space<vmem>>
      %dma_wait3A_424 = tpu.memref_squeeze %dma_wait3A_423 : memref<1x1x112x64xf32, #tpu.memory_space<vmem>> -> memref<112x64xf32, #tpu.memory_space<vmem>>
      %dma_wait3A_425 = arith.constant 0 : i32
      %dma_wait3A_426 = tpu.memref_slice %arg5[%select_n3A_350, %add3A_418, %dma_wait3A_425] : memref<2x128x112xi32, #tpu.memory_space<vmem>> -> memref<1x1x112xi32, #tpu.memory_space<vmem>>
      %dma_wait3A_427 = tpu.memref_squeeze %dma_wait3A_426 : memref<1x1x112xi32, #tpu.memory_space<vmem>> -> memref<112xi32, #tpu.memory_space<vmem>>
      %dma_wait3A_428 = arith.constant 0 : i32
      %dma_wait3A_429 = arith.constant 0 : i32
      %dma_wait3A_430 = tpu.memref_slice %arg2[%dma_wait3A_428, %dma_wait3A_429] : memref<100000x64xf32, #tpu.memory_space<hbm>> -> memref<100000x64xf32, #tpu.memory_space<hbm>>
      tpu.wait_indirect_dma semaphore(%arg7 : memref<!tpu.dma_semaphore, #tpu.memory_space<semaphore_mem>>) src(%dma_wait3A_430 : memref<100000x64xf32, #tpu.memory_space<hbm>>) dst(%dma_wait3A_424 : memref<112x64xf32, #tpu.memory_space<vmem>>)
      %jit3A_431 = arith.constant 32 : i32
      %div3A_432 = arith.divsi %add3A_68, %jit3A_431 : i32
      %sign3A_433 = arith.constant 0 : i32
      %sign3A_434 = arith.cmpi sgt, %add3A_68, %sign3A_433 : i32
      %sign3A_435 = arith.extui %sign3A_434 : i1 to i32
      %sign3A_436 = arith.constant 0 : i32
      %sign3A_437 = arith.cmpi slt, %add3A_68, %sign3A_436 : i32
      %sign3A_438 = arith.extui %sign3A_437 : i1 to i32
      %sign3A_439 = arith.subi %sign3A_435, %sign3A_438 : i32
      %sign3A_440 = arith.constant 0 : i32
      %sign3A_441 = arith.cmpi sgt, %jit3A_431, %sign3A_440 : i32
      %sign3A_442 = arith.extui %sign3A_441 : i1 to i32
      %sign3A_443 = arith.constant 0 : i32
      %sign3A_444 = arith.cmpi slt, %jit3A_431, %sign3A_443 : i32
      %sign3A_445 = arith.extui %sign3A_444 : i1 to i32
      %sign3A_446 = arith.subi %sign3A_442, %sign3A_445 : i32
      %ne3A_447 = arith.cmpi ne, %sign3A_439, %sign3A_446 : i32
      %rem3A_448 = arith.remsi %add3A_68, %jit3A_431 : i32
      %ne3A_449 = arith.constant 0 : i32
      %ne3A_450 = arith.cmpi ne, %rem3A_448, %ne3A_449 : i32
      %and3A_451 = arith.andi %ne3A_447, %ne3A_450 : i1
      %sub3A_452 = arith.constant 1 : i32
      %sub3A_453 = arith.subi %div3A_432, %sub3A_452 : i32
      %select_n3A_454 = arith.select %and3A_451, %sub3A_453, %div3A_432 : i32
      %jit3A_455 = arith.constant 32 : i32
      %eq3A_456 = arith.constant 0 : i32
      %eq3A_457 = arith.cmpi eq, %jit3A_455, %eq3A_456 : i32
      %jit3A_458 = arith.constant 1 : i32
      %select_n3A_459 = arith.select %eq3A_457, %jit3A_458, %jit3A_455 : i32
      %rem3A_460 = arith.remsi %add3A_68, %select_n3A_459 : i32
      %ne3A_461 = arith.constant 0 : i32
      %ne3A_462 = arith.cmpi ne, %rem3A_460, %ne3A_461 : i32
      %lt3A_463 = arith.constant 0 : i32
      %lt3A_464 = arith.cmpi slt, %rem3A_460, %lt3A_463 : i32
      %lt3A_465 = arith.constant 0 : i32
      %lt3A_466 = arith.cmpi slt, %select_n3A_459, %lt3A_465 : i32
      %ne3A_467 = arith.xori %lt3A_464, %lt3A_466 : i1
      %and3A_468 = arith.andi %ne3A_467, %ne3A_462 : i1
      %add3A_469 = arith.addi %rem3A_460, %select_n3A_459 : i32
      %select_n3A_470 = arith.select %and3A_468, %add3A_469, %rem3A_460 : i32
      %dma_start3A_471 = arith.constant 1 : i32
      %dma_start3A_472 = arith.constant 0 : i32
      %dma_start3A_473 = arith.constant 0 : i32
      %dma_start3A_474 = arith.constant 0 : i32
      %dma_start3A_475 = tpu.memref_slice %arg6[%dma_start3A_471, %dma_start3A_472, %dma_start3A_473, %dma_start3A_474] : memref<2x4x112x64xf32, #tpu.memory_space<vmem>> -> memref<1x4x112x64xf32, #tpu.memory_space<vmem>>
      %dma_start3A_476 = tpu.memref_squeeze %dma_start3A_475 : memref<1x4x112x64xf32, #tpu.memory_space<vmem>> -> memref<4x112x64xf32, #tpu.memory_space<vmem>>
      %dma_start3A_477 = arith.constant 0 : i32
      %dma_start3A_478 = arith.constant 0 : i32
      %dma_start3A_479 = arith.constant 0 : i32
      %dma_start3A_480 = tpu.memref_slice %arg4[%select_n3A_454, %add3A, %select_n3A_470, %dma_start3A_477, %dma_start3A_478, %dma_start3A_479] : memref<2x32x32x4x112x64xf32, #tpu.memory_space<hbm>> -> memref<1x1x1x4x112x64xf32, #tpu.memory_space<hbm>>
      %dma_start3A_481 = tpu.memref_squeeze %dma_start3A_480 : memref<1x1x1x4x112x64xf32, #tpu.memory_space<hbm>> -> memref<4x112x64xf32, #tpu.memory_space<hbm>>
      %dma_start3A_482 = arith.constant 0 : i32
      %dma_start3A_483 = arith.constant 0 : i32
      %dma_start3A_484 = arith.constant 0 : i32
      %dma_start3A_485 = tpu.memref_slice %arg4[%select_n3A_454, %add3A, %select_n3A_470, %dma_start3A_482, %dma_start3A_483, %dma_start3A_484] : memref<2x32x32x4x112x64xf32, #tpu.memory_space<hbm>> -> memref<1x1x1x4x112x64xf32, #tpu.memory_space<hbm>>
      %dma_start3A_486 = tpu.memref_squeeze %dma_start3A_485 : memref<1x1x1x4x112x64xf32, #tpu.memory_space<hbm>> -> memref<4x112x64xf32, #tpu.memory_space<hbm>>
      %dma_start3A_487 = arith.constant 0 : i32
      %dma_start3A_488 = arith.constant 0 : i32
      %dma_start3A_489 = arith.constant 0 : i32
      %dma_start3A_490 = tpu.memref_slice %arg6[%dma_start3A_471, %dma_start3A_487, %dma_start3A_488, %dma_start3A_489] : memref<2x4x112x64xf32, #tpu.memory_space<vmem>> -> memref<1x4x112x64xf32, #tpu.memory_space<vmem>>
      %dma_start3A_491 = tpu.memref_squeeze %dma_start3A_490 : memref<1x4x112x64xf32, #tpu.memory_space<vmem>> -> memref<4x112x64xf32, #tpu.memory_space<vmem>>
      tpu.enqueue_dma source(%dma_start3A_491 : memref<4x112x64xf32, #tpu.memory_space<vmem>>) target(%dma_start3A_486 : memref<4x112x64xf32, #tpu.memory_space<hbm>>) target_semaphore(%arg8 : memref<!tpu.dma_semaphore, #tpu.memory_space<semaphore_mem>>)
      %jit3A_492 = arith.constant 32 : i32
      %div3A_493 = arith.divsi %mul3A_66, %jit3A_492 : i32
      %sign3A_494 = arith.constant 0 : i32
      %sign3A_495 = arith.cmpi sgt, %mul3A_66, %sign3A_494 : i32
      %sign3A_496 = arith.extui %sign3A_495 : i1 to i32
      %sign3A_497 = arith.constant 0 : i32
      %sign3A_498 = arith.cmpi slt, %mul3A_66, %sign3A_497 : i32
      %sign3A_499 = arith.extui %sign3A_498 : i1 to i32
      %sign3A_500 = arith.subi %sign3A_496, %sign3A_499 : i32
      %sign3A_501 = arith.constant 0 : i32
      %sign3A_502 = arith.cmpi sgt, %jit3A_492, %sign3A_501 : i32
      %sign3A_503 = arith.extui %sign3A_502 : i1 to i32
      %sign3A_504 = arith.constant 0 : i32
      %sign3A_505 = arith.cmpi slt, %jit3A_492, %sign3A_504 : i32
      %sign3A_506 = arith.extui %sign3A_505 : i1 to i32
      %sign3A_507 = arith.subi %sign3A_503, %sign3A_506 : i32
      %ne3A_508 = arith.cmpi ne, %sign3A_500, %sign3A_507 : i32
      %rem3A_509 = arith.remsi %mul3A_66, %jit3A_492 : i32
      %ne3A_510 = arith.constant 0 : i32
      %ne3A_511 = arith.cmpi ne, %rem3A_509, %ne3A_510 : i32
      %and3A_512 = arith.andi %ne3A_508, %ne3A_511 : i1
      %sub3A_513 = arith.constant 1 : i32
      %sub3A_514 = arith.subi %div3A_493, %sub3A_513 : i32
      %select_n3A_515 = arith.select %and3A_512, %sub3A_514, %div3A_493 : i32
      %jit3A_516 = arith.constant 32 : i32
      %eq3A_517 = arith.constant 0 : i32
      %eq3A_518 = arith.cmpi eq, %jit3A_516, %eq3A_517 : i32
      %jit3A_519 = arith.constant 1 : i32
      %select_n3A_520 = arith.select %eq3A_518, %jit3A_519, %jit3A_516 : i32
      %rem3A_521 = arith.remsi %mul3A_66, %select_n3A_520 : i32
      %ne3A_522 = arith.constant 0 : i32
      %ne3A_523 = arith.cmpi ne, %rem3A_521, %ne3A_522 : i32
      %lt3A_524 = arith.constant 0 : i32
      %lt3A_525 = arith.cmpi slt, %rem3A_521, %lt3A_524 : i32
      %lt3A_526 = arith.constant 0 : i32
      %lt3A_527 = arith.cmpi slt, %select_n3A_520, %lt3A_526 : i32
      %ne3A_528 = arith.xori %lt3A_525, %lt3A_527 : i1
      %and3A_529 = arith.andi %ne3A_528, %ne3A_523 : i1
      %add3A_530 = arith.addi %rem3A_521, %select_n3A_520 : i32
      %select_n3A_531 = arith.select %and3A_529, %add3A_530, %rem3A_521 : i32
      %dma_wait3A_532 = arith.constant 0 : i32
      %dma_wait3A_533 = arith.constant 0 : i32
      %dma_wait3A_534 = arith.constant 0 : i32
      %dma_wait3A_535 = arith.constant 0 : i32
      %dma_wait3A_536 = tpu.memref_slice %arg6[%dma_wait3A_532, %dma_wait3A_533, %dma_wait3A_534, %dma_wait3A_535] : memref<2x4x112x64xf32, #tpu.memory_space<vmem>> -> memref<1x4x112x64xf32, #tpu.memory_space<vmem>>
      %dma_wait3A_537 = tpu.memref_squeeze %dma_wait3A_536 : memref<1x4x112x64xf32, #tpu.memory_space<vmem>> -> memref<4x112x64xf32, #tpu.memory_space<vmem>>
      %dma_wait3A_538 = arith.constant 0 : i32
      %dma_wait3A_539 = arith.constant 0 : i32
      %dma_wait3A_540 = arith.constant 0 : i32
      %dma_wait3A_541 = tpu.memref_slice %arg4[%select_n3A_515, %add3A, %select_n3A_531, %dma_wait3A_538, %dma_wait3A_539, %dma_wait3A_540] : memref<2x32x32x4x112x64xf32, #tpu.memory_space<hbm>> -> memref<1x1x1x4x112x64xf32, #tpu.memory_space<hbm>>
      %dma_wait3A_542 = tpu.memref_squeeze %dma_wait3A_541 : memref<1x1x1x4x112x64xf32, #tpu.memory_space<hbm>> -> memref<4x112x64xf32, #tpu.memory_space<hbm>>
      %dma_wait3A_543 = arith.constant 0 : i32
      %dma_wait3A_544 = arith.constant 0 : i32
      %dma_wait3A_545 = arith.constant 0 : i32
      %dma_wait3A_546 = tpu.memref_slice %arg4[%select_n3A_515, %add3A, %select_n3A_531, %dma_wait3A_543, %dma_wait3A_544, %dma_wait3A_545] : memref<2x32x32x4x112x64xf32, #tpu.memory_space<hbm>> -> memref<1x1x1x4x112x64xf32, #tpu.memory_space<hbm>>
      %dma_wait3A_547 = tpu.memref_squeeze %dma_wait3A_546 : memref<1x1x1x4x112x64xf32, #tpu.memory_space<hbm>> -> memref<4x112x64xf32, #tpu.memory_space<hbm>>
      %dma_wait3A_548 = arith.constant 0 : i32
      %dma_wait3A_549 = arith.constant 0 : i32
      %dma_wait3A_550 = arith.constant 0 : i32
      %dma_wait3A_551 = tpu.memref_slice %arg6[%dma_wait3A_532, %dma_wait3A_548, %dma_wait3A_549, %dma_wait3A_550] : memref<2x4x112x64xf32, #tpu.memory_space<vmem>> -> memref<1x4x112x64xf32, #tpu.memory_space<vmem>>
      %dma_wait3A_552 = tpu.memref_squeeze %dma_wait3A_551 : memref<1x4x112x64xf32, #tpu.memory_space<vmem>> -> memref<4x112x64xf32, #tpu.memory_space<vmem>>
      tpu.wait_dma2 semaphore(%arg8 : memref<!tpu.dma_semaphore, #tpu.memory_space<semaphore_mem>>) src(%dma_wait3A_552 : memref<4x112x64xf32, #tpu.memory_space<vmem>>) dst(%dma_wait3A_547 : memref<4x112x64xf32, #tpu.memory_space<hbm>>)
      %add3A_553 = arith.constant 1 : i32
      %add3A_554 = arith.addi %scan3A_64, %add3A_553 : i32
      %lt3A_555 = arith.constant 32 : i32
      %lt3A_556 = arith.cmpi slt, %add3A_554, %lt3A_555 : i32
      %convert_element_type3A = arith.extui %lt3A_556 : i1 to i32
      %cond3A = arith.constant 0 : i32
      %cond3A_557 = arith.cmpi ne, %convert_element_type3A, %cond3A : i32
      scf.if %cond3A_557 {
        %add3A_619 = arith.constant 2 : i32
        %add3A_620 = arith.addi %mul3A_66, %add3A_619 : i32
        %jit3A_621 = arith.constant 32 : i32
        %div3A_622 = arith.divsi %add3A_620, %jit3A_621 : i32
        %sign3A_623 = arith.constant 0 : i32
        %sign3A_624 = arith.cmpi sgt, %add3A_620, %sign3A_623 : i32
        %sign3A_625 = arith.extui %sign3A_624 : i1 to i32
        %sign3A_626 = arith.constant 0 : i32
        %sign3A_627 = arith.cmpi slt, %add3A_620, %sign3A_626 : i32
        %sign3A_628 = arith.extui %sign3A_627 : i1 to i32
        %sign3A_629 = arith.subi %sign3A_625, %sign3A_628 : i32
        %sign3A_630 = arith.constant 0 : i32
        %sign3A_631 = arith.cmpi sgt, %jit3A_621, %sign3A_630 : i32
        %sign3A_632 = arith.extui %sign3A_631 : i1 to i32
        %sign3A_633 = arith.constant 0 : i32
        %sign3A_634 = arith.cmpi slt, %jit3A_621, %sign3A_633 : i32
        %sign3A_635 = arith.extui %sign3A_634 : i1 to i32
        %sign3A_636 = arith.subi %sign3A_632, %sign3A_635 : i32
        %ne3A_637 = arith.cmpi ne, %sign3A_629, %sign3A_636 : i32
        %rem3A_638 = arith.remsi %add3A_620, %jit3A_621 : i32
        %ne3A_639 = arith.constant 0 : i32
        %ne3A_640 = arith.cmpi ne, %rem3A_638, %ne3A_639 : i32
        %and3A_641 = arith.andi %ne3A_637, %ne3A_640 : i1
        %sub3A_642 = arith.constant 1 : i32
        %sub3A_643 = arith.subi %div3A_622, %sub3A_642 : i32
        %select_n3A_644 = arith.select %and3A_641, %sub3A_643, %div3A_622 : i32
        %jit3A_645 = arith.constant 32 : i32
        %eq3A_646 = arith.constant 0 : i32
        %eq3A_647 = arith.cmpi eq, %jit3A_645, %eq3A_646 : i32
        %jit3A_648 = arith.constant 1 : i32
        %select_n3A_649 = arith.select %eq3A_647, %jit3A_648, %jit3A_645 : i32
        %rem3A_650 = arith.remsi %add3A_620, %select_n3A_649 : i32
        %ne3A_651 = arith.constant 0 : i32
        %ne3A_652 = arith.cmpi ne, %rem3A_650, %ne3A_651 : i32
        %lt3A_653 = arith.constant 0 : i32
        %lt3A_654 = arith.cmpi slt, %rem3A_650, %lt3A_653 : i32
        %lt3A_655 = arith.constant 0 : i32
        %lt3A_656 = arith.cmpi slt, %select_n3A_649, %lt3A_655 : i32
        %ne3A_657 = arith.xori %lt3A_654, %lt3A_656 : i1
        %and3A_658 = arith.andi %ne3A_657, %ne3A_652 : i1
        %add3A_659 = arith.addi %rem3A_650, %select_n3A_649 : i32
        %select_n3A_660 = arith.select %and3A_658, %add3A_659, %rem3A_650 : i32
        %mul3A_661 = arith.constant 4 : i32
        %mul3A_662 = arith.muli %select_n3A_660, %mul3A_661 : i32
        %add3A_663 = arith.constant 0 : i32
        %add3A_664 = arith.addi %mul3A_662, %add3A_663 : i32
        %dma_start3A_665 = arith.constant 0 : i32
        %dma_start3A_666 = arith.constant 0 : i32
        %dma_start3A_667 = arith.constant 0 : i32
        %dma_start3A_668 = arith.constant 0 : i32
        %dma_start3A_669 = tpu.memref_slice %arg6[%dma_start3A_665, %dma_start3A_666, %dma_start3A_667, %dma_start3A_668] : memref<2x4x112x64xf32, #tpu.memory_space<vmem>> -> memref<1x1x112x64xf32, #tpu.memory_space<vmem>>
        %dma_start3A_670 = tpu.memref_squeeze %dma_start3A_669 : memref<1x1x112x64xf32, #tpu.memory_space<vmem>> -> memref<112x64xf32, #tpu.memory_space<vmem>>
        %dma_start3A_671 = arith.constant 0 : i32
        %dma_start3A_672 = tpu.memref_slice %arg5[%select_n3A_644, %add3A_664, %dma_start3A_671] : memref<2x128x112xi32, #tpu.memory_space<vmem>> -> memref<1x1x112xi32, #tpu.memory_space<vmem>>
        %dma_start3A_673 = tpu.memref_squeeze %dma_start3A_672 : memref<1x1x112xi32, #tpu.memory_space<vmem>> -> memref<112xi32, #tpu.memory_space<vmem>>
        %dma_start3A_674 = arith.constant 0 : i32
        %dma_start3A_675 = arith.constant 0 : i32
        %dma_start3A_676 = tpu.memref_slice %arg2[%dma_start3A_674, %dma_start3A_675] : memref<100000x64xf32, #tpu.memory_space<hbm>> -> memref<100000x64xf32, #tpu.memory_space<hbm>>
        tpu.enqueue_indirect_dma source(%dma_start3A_676 : memref<100000x64xf32, #tpu.memory_space<hbm>>) target(%dma_start3A_670 : memref<112x64xf32, #tpu.memory_space<vmem>>) offsets(%dma_start3A_673 : memref<112xi32, #tpu.memory_space<vmem>>) semaphore(%arg7 : memref<!tpu.dma_semaphore, #tpu.memory_space<semaphore_mem>>)
        %mul3A_677 = arith.constant 4 : i32
        %mul3A_678 = arith.muli %select_n3A_660, %mul3A_677 : i32
        %add3A_679 = arith.constant 1 : i32
        %add3A_680 = arith.addi %mul3A_678, %add3A_679 : i32
        %dma_start3A_681 = arith.constant 0 : i32
        %dma_start3A_682 = arith.constant 1 : i32
        %dma_start3A_683 = arith.constant 0 : i32
        %dma_start3A_684 = arith.constant 0 : i32
        %dma_start3A_685 = tpu.memref_slice %arg6[%dma_start3A_681, %dma_start3A_682, %dma_start3A_683, %dma_start3A_684] : memref<2x4x112x64xf32, #tpu.memory_space<vmem>> -> memref<1x1x112x64xf32, #tpu.memory_space<vmem>>
        %dma_start3A_686 = tpu.memref_squeeze %dma_start3A_685 : memref<1x1x112x64xf32, #tpu.memory_space<vmem>> -> memref<112x64xf32, #tpu.memory_space<vmem>>
        %dma_start3A_687 = arith.constant 0 : i32
        %dma_start3A_688 = tpu.memref_slice %arg5[%select_n3A_644, %add3A_680, %dma_start3A_687] : memref<2x128x112xi32, #tpu.memory_space<vmem>> -> memref<1x1x112xi32, #tpu.memory_space<vmem>>
        %dma_start3A_689 = tpu.memref_squeeze %dma_start3A_688 : memref<1x1x112xi32, #tpu.memory_space<vmem>> -> memref<112xi32, #tpu.memory_space<vmem>>
        %dma_start3A_690 = arith.constant 0 : i32
        %dma_start3A_691 = arith.constant 0 : i32
        %dma_start3A_692 = tpu.memref_slice %arg2[%dma_start3A_690, %dma_start3A_691] : memref<100000x64xf32, #tpu.memory_space<hbm>> -> memref<100000x64xf32, #tpu.memory_space<hbm>>
        tpu.enqueue_indirect_dma source(%dma_start3A_692 : memref<100000x64xf32, #tpu.memory_space<hbm>>) target(%dma_start3A_686 : memref<112x64xf32, #tpu.memory_space<vmem>>) offsets(%dma_start3A_689 : memref<112xi32, #tpu.memory_space<vmem>>) semaphore(%arg7 : memref<!tpu.dma_semaphore, #tpu.memory_space<semaphore_mem>>)
        %mul3A_693 = arith.constant 4 : i32
        %mul3A_694 = arith.muli %select_n3A_660, %mul3A_693 : i32
        %add3A_695 = arith.constant 2 : i32
        %add3A_696 = arith.addi %mul3A_694, %add3A_695 : i32
        %dma_start3A_697 = arith.constant 0 : i32
        %dma_start3A_698 = arith.constant 2 : i32
        %dma_start3A_699 = arith.constant 0 : i32
        %dma_start3A_700 = arith.constant 0 : i32
        %dma_start3A_701 = tpu.memref_slice %arg6[%dma_start3A_697, %dma_start3A_698, %dma_start3A_699, %dma_start3A_700] : memref<2x4x112x64xf32, #tpu.memory_space<vmem>> -> memref<1x1x112x64xf32, #tpu.memory_space<vmem>>
        %dma_start3A_702 = tpu.memref_squeeze %dma_start3A_701 : memref<1x1x112x64xf32, #tpu.memory_space<vmem>> -> memref<112x64xf32, #tpu.memory_space<vmem>>
        %dma_start3A_703 = arith.constant 0 : i32
        %dma_start3A_704 = tpu.memref_slice %arg5[%select_n3A_644, %add3A_696, %dma_start3A_703] : memref<2x128x112xi32, #tpu.memory_space<vmem>> -> memref<1x1x112xi32, #tpu.memory_space<vmem>>
        %dma_start3A_705 = tpu.memref_squeeze %dma_start3A_704 : memref<1x1x112xi32, #tpu.memory_space<vmem>> -> memref<112xi32, #tpu.memory_space<vmem>>
        %dma_start3A_706 = arith.constant 0 : i32
        %dma_start3A_707 = arith.constant 0 : i32
        %dma_start3A_708 = tpu.memref_slice %arg2[%dma_start3A_706, %dma_start3A_707] : memref<100000x64xf32, #tpu.memory_space<hbm>> -> memref<100000x64xf32, #tpu.memory_space<hbm>>
        tpu.enqueue_indirect_dma source(%dma_start3A_708 : memref<100000x64xf32, #tpu.memory_space<hbm>>) target(%dma_start3A_702 : memref<112x64xf32, #tpu.memory_space<vmem>>) offsets(%dma_start3A_705 : memref<112xi32, #tpu.memory_space<vmem>>) semaphore(%arg7 : memref<!tpu.dma_semaphore, #tpu.memory_space<semaphore_mem>>)
        %mul3A_709 = arith.constant 4 : i32
        %mul3A_710 = arith.muli %select_n3A_660, %mul3A_709 : i32
        %add3A_711 = arith.constant 3 : i32
        %add3A_712 = arith.addi %mul3A_710, %add3A_711 : i32
        %dma_start3A_713 = arith.constant 0 : i32
        %dma_start3A_714 = arith.constant 3 : i32
        %dma_start3A_715 = arith.constant 0 : i32
        %dma_start3A_716 = arith.constant 0 : i32
        %dma_start3A_717 = tpu.memref_slice %arg6[%dma_start3A_713, %dma_start3A_714, %dma_start3A_715, %dma_start3A_716] : memref<2x4x112x64xf32, #tpu.memory_space<vmem>> -> memref<1x1x112x64xf32, #tpu.memory_space<vmem>>
        %dma_start3A_718 = tpu.memref_squeeze %dma_start3A_717 : memref<1x1x112x64xf32, #tpu.memory_space<vmem>> -> memref<112x64xf32, #tpu.memory_space<vmem>>
        %dma_start3A_719 = arith.constant 0 : i32
        %dma_start3A_720 = tpu.memref_slice %arg5[%select_n3A_644, %add3A_712, %dma_start3A_719] : memref<2x128x112xi32, #tpu.memory_space<vmem>> -> memref<1x1x112xi32, #tpu.memory_space<vmem>>
        %dma_start3A_721 = tpu.memref_squeeze %dma_start3A_720 : memref<1x1x112xi32, #tpu.memory_space<vmem>> -> memref<112xi32, #tpu.memory_space<vmem>>
        %dma_start3A_722 = arith.constant 0 : i32
        %dma_start3A_723 = arith.constant 0 : i32
        %dma_start3A_724 = tpu.memref_slice %arg2[%dma_start3A_722, %dma_start3A_723] : memref<100000x64xf32, #tpu.memory_space<hbm>> -> memref<100000x64xf32, #tpu.memory_space<hbm>>
        tpu.enqueue_indirect_dma source(%dma_start3A_724 : memref<100000x64xf32, #tpu.memory_space<hbm>>) target(%dma_start3A_718 : memref<112x64xf32, #tpu.memory_space<vmem>>) offsets(%dma_start3A_721 : memref<112xi32, #tpu.memory_space<vmem>>) semaphore(%arg7 : memref<!tpu.dma_semaphore, #tpu.memory_space<semaphore_mem>>)
      } else {
      }
      %jit3A_558 = arith.constant 32 : i32
      %div3A_559 = arith.divsi %add3A_68, %jit3A_558 : i32
      %sign3A_560 = arith.constant 0 : i32
      %sign3A_561 = arith.cmpi sgt, %add3A_68, %sign3A_560 : i32
      %sign3A_562 = arith.extui %sign3A_561 : i1 to i32
      %sign3A_563 = arith.constant 0 : i32
      %sign3A_564 = arith.cmpi slt, %add3A_68, %sign3A_563 : i32
      %sign3A_565 = arith.extui %sign3A_564 : i1 to i32
      %sign3A_566 = arith.subi %sign3A_562, %sign3A_565 : i32
      %sign3A_567 = arith.constant 0 : i32
      %sign3A_568 = arith.cmpi sgt, %jit3A_558, %sign3A_567 : i32
      %sign3A_569 = arith.extui %sign3A_568 : i1 to i32
      %sign3A_570 = arith.constant 0 : i32
      %sign3A_571 = arith.cmpi slt, %jit3A_558, %sign3A_570 : i32
      %sign3A_572 = arith.extui %sign3A_571 : i1 to i32
      %sign3A_573 = arith.subi %sign3A_569, %sign3A_572 : i32
      %ne3A_574 = arith.cmpi ne, %sign3A_566, %sign3A_573 : i32
      %rem3A_575 = arith.remsi %add3A_68, %jit3A_558 : i32
      %ne3A_576 = arith.constant 0 : i32
      %ne3A_577 = arith.cmpi ne, %rem3A_575, %ne3A_576 : i32
      %and3A_578 = arith.andi %ne3A_574, %ne3A_577 : i1
      %sub3A_579 = arith.constant 1 : i32
      %sub3A_580 = arith.subi %div3A_559, %sub3A_579 : i32
      %select_n3A_581 = arith.select %and3A_578, %sub3A_580, %div3A_559 : i32
      %jit3A_582 = arith.constant 32 : i32
      %eq3A_583 = arith.constant 0 : i32
      %eq3A_584 = arith.cmpi eq, %jit3A_582, %eq3A_583 : i32
      %jit3A_585 = arith.constant 1 : i32
      %select_n3A_586 = arith.select %eq3A_584, %jit3A_585, %jit3A_582 : i32
      %rem3A_587 = arith.remsi %add3A_68, %select_n3A_586 : i32
      %ne3A_588 = arith.constant 0 : i32
      %ne3A_589 = arith.cmpi ne, %rem3A_587, %ne3A_588 : i32
      %lt3A_590 = arith.constant 0 : i32
      %lt3A_591 = arith.cmpi slt, %rem3A_587, %lt3A_590 : i32
      %lt3A_592 = arith.constant 0 : i32
      %lt3A_593 = arith.cmpi slt, %select_n3A_586, %lt3A_592 : i32
      %ne3A_594 = arith.xori %lt3A_591, %lt3A_593 : i1
      %and3A_595 = arith.andi %ne3A_594, %ne3A_589 : i1
      %add3A_596 = arith.addi %rem3A_587, %select_n3A_586 : i32
      %select_n3A_597 = arith.select %and3A_595, %add3A_596, %rem3A_587 : i32
      %dma_wait3A_598 = arith.constant 1 : i32
      %dma_wait3A_599 = arith.constant 0 : i32
      %dma_wait3A_600 = arith.constant 0 : i32
      %dma_wait3A_601 = arith.constant 0 : i32
      %dma_wait3A_602 = tpu.memref_slice %arg6[%dma_wait3A_598, %dma_wait3A_599, %dma_wait3A_600, %dma_wait3A_601] : memref<2x4x112x64xf32, #tpu.memory_space<vmem>> -> memref<1x4x112x64xf32, #tpu.memory_space<vmem>>
      %dma_wait3A_603 = tpu.memref_squeeze %dma_wait3A_602 : memref<1x4x112x64xf32, #tpu.memory_space<vmem>> -> memref<4x112x64xf32, #tpu.memory_space<vmem>>
      %dma_wait3A_604 = arith.constant 0 : i32
      %dma_wait3A_605 = arith.constant 0 : i32
      %dma_wait3A_606 = arith.constant 0 : i32
      %dma_wait3A_607 = tpu.memref_slice %arg4[%select_n3A_581, %add3A, %select_n3A_597, %dma_wait3A_604, %dma_wait3A_605, %dma_wait3A_606] : memref<2x32x32x4x112x64xf32, #tpu.memory_space<hbm>> -> memref<1x1x1x4x112x64xf32, #tpu.memory_space<hbm>>
      %dma_wait3A_608 = tpu.memref_squeeze %dma_wait3A_607 : memref<1x1x1x4x112x64xf32, #tpu.memory_space<hbm>> -> memref<4x112x64xf32, #tpu.memory_space<hbm>>
      %dma_wait3A_609 = arith.constant 0 : i32
      %dma_wait3A_610 = arith.constant 0 : i32
      %dma_wait3A_611 = arith.constant 0 : i32
      %dma_wait3A_612 = tpu.memref_slice %arg4[%select_n3A_581, %add3A, %select_n3A_597, %dma_wait3A_609, %dma_wait3A_610, %dma_wait3A_611] : memref<2x32x32x4x112x64xf32, #tpu.memory_space<hbm>> -> memref<1x1x1x4x112x64xf32, #tpu.memory_space<hbm>>
      %dma_wait3A_613 = tpu.memref_squeeze %dma_wait3A_612 : memref<1x1x1x4x112x64xf32, #tpu.memory_space<hbm>> -> memref<4x112x64xf32, #tpu.memory_space<hbm>>
      %dma_wait3A_614 = arith.constant 0 : i32
      %dma_wait3A_615 = arith.constant 0 : i32
      %dma_wait3A_616 = arith.constant 0 : i32
      %dma_wait3A_617 = tpu.memref_slice %arg6[%dma_wait3A_598, %dma_wait3A_614, %dma_wait3A_615, %dma_wait3A_616] : memref<2x4x112x64xf32, #tpu.memory_space<vmem>> -> memref<1x4x112x64xf32, #tpu.memory_space<vmem>>
      %dma_wait3A_618 = tpu.memref_squeeze %dma_wait3A_617 : memref<1x4x112x64xf32, #tpu.memory_space<vmem>> -> memref<4x112x64xf32, #tpu.memory_space<vmem>>
      tpu.wait_dma2 semaphore(%arg8 : memref<!tpu.dma_semaphore, #tpu.memory_space<semaphore_mem>>) src(%dma_wait3A_618 : memref<4x112x64xf32, #tpu.memory_space<vmem>>) dst(%dma_wait3A_613 : memref<4x112x64xf32, #tpu.memory_space<hbm>>)
    }
    %scan3A_63 = arith.constant 32 : i32
    return
  }
}

module attributes {stable_mosaic.version = 14 : i64} {
  func.func @_fuse_body(%arg0: i32, %arg1: memref<2000x256xf32, #tpu.memory_space<vmem>>, %arg2: memref<2000x64xf32, #tpu.memory_space<vmem>>, %arg3: memref<256x64xf32, #tpu.memory_space<vmem>>, %arg4: memref<2000x64xf32, #tpu.memory_space<vmem>>) attributes {dimension_semantics = [#tpu.dimension_semantics<arbitrary>], iteration_bounds = array<i64: 50>, scalar_prefetch = 0 : i64, scratch_operands = 0 : i64, tpu.core_type = #tpu.core_type<tc>, window_params = [{transform_indices = @transform_0, window_bounds = array<i64: 2000, 256>}, {transform_indices = @transform_1, window_bounds = array<i64: 2000, 64>}, {pipeline_mode = #tpu.pipeline_mode<synchronous>, transform_indices = @transform_2, window_bounds = array<i64: 256, 64>}, {transform_indices = @transform_3, window_bounds = array<i64: 2000, 64>}]} {
    %get3A = arith.constant 0 : index
    %get3A_0 = arith.constant 0 : index
    %get3A_1 = vector.load %arg2[%get3A, %get3A_0] : memref<2000x64xf32, #tpu.memory_space<vmem>>, vector<2000x64xf32>
    %get3A_2 = arith.constant 0 : index
    %get3A_3 = arith.constant 0 : index
    %get3A_4 = vector.load %arg1[%get3A_2, %get3A_3] : memref<2000x256xf32, #tpu.memory_space<vmem>>, vector<2000x256xf32>
    %get3A_5 = arith.constant 0 : index
    %get3A_6 = arith.constant 0 : index
    %get3A_7 = vector.load %arg3[%get3A_5, %get3A_6] : memref<256x64xf32, #tpu.memory_space<vmem>>, vector<256x64xf32>
    %dot_general3A = arith.constant dense<0.000000e+00> : vector<2000x64xf32>
    %dot_general3A_8 = tpu.matmul %get3A_4, %get3A_7, %dot_general3A {dimension_numbers = #tpu.dot_dimension_numbers<[1], [0], [0], [1], [0, 0, 1, 1], [], []>, transpose_lhs_hint = false} : vector<2000x256xf32>, vector<256x64xf32>, vector<2000x64xf32> -> vector<2000x64xf32>
    %add3A = arith.addf %get3A_1, %dot_general3A_8 : vector<2000x64xf32>
    %swap3A = arith.constant 0 : index
    %swap3A_9 = arith.constant 0 : index
    %swap3A_10 = vector.load %arg4[%swap3A, %swap3A_9] : memref<2000x64xf32, #tpu.memory_space<vmem>>, vector<2000x64xf32>
    tpu.vector_store %arg4[%swap3A, %swap3A_9], %add3A {strides = array<i32>} : memref<2000x64xf32, #tpu.memory_space<vmem>>, vector<2000x64xf32>,
    return
  }
  func.func @transform_0(%arg0: i32) -> (i32, i32) {
    %c0_i32 = arith.constant 0 : i32
    %c0_i32_0 = arith.constant 0 : i32
    return %arg0, %c0_i32 : i32, i32
  }
  func.func @transform_1(%arg0: i32) -> (i32, i32) {
    %c0_i32 = arith.constant 0 : i32
    %c0_i32_0 = arith.constant 0 : i32
    return %arg0, %c0_i32 : i32, i32
  }
  func.func @transform_2(%arg0: i32) -> (i32, i32) {
    %c0_i32 = arith.constant 0 : i32
    %c0_i32_0 = arith.constant 0 : i32
    %c0_i32_1 = arith.constant 0 : i32
    return %c0_i32, %c0_i32_0 : i32, i32
  }
  func.func @transform_3(%arg0: i32) -> (i32, i32) {
    %c0_i32 = arith.constant 0 : i32
    %c0_i32_0 = arith.constant 0 : i32
    return %arg0, %c0_i32 : i32, i32
  }
}

module attributes {stable_mosaic.version = 14 : i64} {
  func.func @_xpose_body(%arg0: i32, %arg1: memref<256x56x128xf32, #tpu.memory_space<vmem>>, %arg2: memref<100x64x256xf32, #tpu.memory_space<vmem>>) attributes {dimension_semantics = [#tpu.dimension_semantics<arbitrary>], iteration_bounds = array<i64: 32>, scalar_prefetch = 0 : i64, scratch_operands = 0 : i64, tpu.core_type = #tpu.core_type<tc>, window_params = [{transform_indices = @transform_0, window_bounds = array<i64: 256, 56, 128>}, {transform_indices = @transform_1, window_bounds = array<i64: 100, 64, 256>}]} {
    %get3A = arith.constant 0 : index
    %get3A_0 = arith.constant 0 : index
    %get3A_1 = arith.constant 0 : index
    %get3A_2 = vector.load %arg1[%get3A, %get3A_0, %get3A_1] : memref<256x56x128xf32, #tpu.memory_space<vmem>>, vector<256x56x128xf32>
    %slice3A = vector.extract_strided_slice %get3A_2 {offsets = [0, 0, 0], sizes = [256, 1, 128], strides = [1, 1, 1]} : vector<256x56x128xf32> to vector<256x1x128xf32>
    %squeeze3A = vector.shape_cast %slice3A : vector<256x1x128xf32> to vector<256x128xf32>
    %transpose3A = tpu.transpose %squeeze3A, [1, 0] : vector<256x128xf32> -> vector<128x256xf32>
    %slice3A_3 = vector.extract_strided_slice %transpose3A {offsets = [0, 0], sizes = [64, 256], strides = [1, 1]} : vector<128x256xf32> to vector<64x256xf32>
    %swap3A = arith.constant 0 : index
    %swap3A_4 = arith.constant 0 : index
    %swap3A_5 = arith.constant 0 : index
    %swap3A_6 = vector.load %arg2[%swap3A, %swap3A_4, %swap3A_5] : memref<100x64x256xf32, #tpu.memory_space<vmem>>, vector<1x64x256xf32>
    %swap3A_7 = vector.shape_cast %swap3A_6 : vector<1x64x256xf32> to vector<64x256xf32>
    %swap3A_8 = vector.shape_cast %slice3A_3 : vector<64x256xf32> to vector<1x64x256xf32>
    tpu.vector_store %arg2[%swap3A, %swap3A_4, %swap3A_5], %swap3A_8 {strides = array<i32>} : memref<100x64x256xf32, #tpu.memory_space<vmem>>, vector<1x64x256xf32>,
    %slice3A_9 = vector.extract_strided_slice %transpose3A {offsets = [64, 0], sizes = [64, 256], strides = [1, 1]} : vector<128x256xf32> to vector<64x256xf32>
    %swap3A_10 = arith.constant 1 : index
    %swap3A_11 = arith.constant 0 : index
    %swap3A_12 = arith.constant 0 : index
    %swap3A_13 = vector.load %arg2[%swap3A_10, %swap3A_11, %swap3A_12] : memref<100x64x256xf32, #tpu.memory_space<vmem>>, vector<1x64x256xf32>
    %swap3A_14 = vector.shape_cast %swap3A_13 : vector<1x64x256xf32> to vector<64x256xf32>
    %swap3A_15 = vector.shape_cast %slice3A_9 : vector<64x256xf32> to vector<1x64x256xf32>
    tpu.vector_store %arg2[%swap3A_10, %swap3A_11, %swap3A_12], %swap3A_15 {strides = array<i32>} : memref<100x64x256xf32, #tpu.memory_space<vmem>>, vector<1x64x256xf32>,
    %slice3A_16 = vector.extract_strided_slice %get3A_2 {offsets = [0, 1, 0], sizes = [256, 1, 128], strides = [1, 1, 1]} : vector<256x56x128xf32> to vector<256x1x128xf32>
    %squeeze3A_17 = vector.shape_cast %slice3A_16 : vector<256x1x128xf32> to vector<256x128xf32>
    %transpose3A_18 = tpu.transpose %squeeze3A_17, [1, 0] : vector<256x128xf32> -> vector<128x256xf32>
    %slice3A_19 = vector.extract_strided_slice %transpose3A_18 {offsets = [0, 0], sizes = [64, 256], strides = [1, 1]} : vector<128x256xf32> to vector<64x256xf32>
    %swap3A_20 = arith.constant 2 : index
    %swap3A_21 = arith.constant 0 : index
    %swap3A_22 = arith.constant 0 : index
    %swap3A_23 = vector.load %arg2[%swap3A_20, %swap3A_21, %swap3A_22] : memref<100x64x256xf32, #tpu.memory_space<vmem>>, vector<1x64x256xf32>
    %swap3A_24 = vector.shape_cast %swap3A_23 : vector<1x64x256xf32> to vector<64x256xf32>
    %swap3A_25 = vector.shape_cast %slice3A_19 : vector<64x256xf32> to vector<1x64x256xf32>
    tpu.vector_store %arg2[%swap3A_20, %swap3A_21, %swap3A_22], %swap3A_25 {strides = array<i32>} : memref<100x64x256xf32, #tpu.memory_space<vmem>>, vector<1x64x256xf32>,
    %slice3A_26 = vector.extract_strided_slice %transpose3A_18 {offsets = [64, 0], sizes = [64, 256], strides = [1, 1]} : vector<128x256xf32> to vector<64x256xf32>
    %swap3A_27 = arith.constant 3 : index
    %swap3A_28 = arith.constant 0 : index
    %swap3A_29 = arith.constant 0 : index
    %swap3A_30 = vector.load %arg2[%swap3A_27, %swap3A_28, %swap3A_29] : memref<100x64x256xf32, #tpu.memory_space<vmem>>, vector<1x64x256xf32>
    %swap3A_31 = vector.shape_cast %swap3A_30 : vector<1x64x256xf32> to vector<64x256xf32>
    %swap3A_32 = vector.shape_cast %slice3A_26 : vector<64x256xf32> to vector<1x64x256xf32>
    tpu.vector_store %arg2[%swap3A_27, %swap3A_28, %swap3A_29], %swap3A_32 {strides = array<i32>} : memref<100x64x256xf32, #tpu.memory_space<vmem>>, vector<1x64x256xf32>,
    %slice3A_33 = vector.extract_strided_slice %get3A_2 {offsets = [0, 2, 0], sizes = [256, 1, 128], strides = [1, 1, 1]} : vector<256x56x128xf32> to vector<256x1x128xf32>
    %squeeze3A_34 = vector.shape_cast %slice3A_33 : vector<256x1x128xf32> to vector<256x128xf32>
    %transpose3A_35 = tpu.transpose %squeeze3A_34, [1, 0] : vector<256x128xf32> -> vector<128x256xf32>
    %slice3A_36 = vector.extract_strided_slice %transpose3A_35 {offsets = [0, 0], sizes = [64, 256], strides = [1, 1]} : vector<128x256xf32> to vector<64x256xf32>
    %swap3A_37 = arith.constant 4 : index
    %swap3A_38 = arith.constant 0 : index
    %swap3A_39 = arith.constant 0 : index
    %swap3A_40 = vector.load %arg2[%swap3A_37, %swap3A_38, %swap3A_39] : memref<100x64x256xf32, #tpu.memory_space<vmem>>, vector<1x64x256xf32>
    %swap3A_41 = vector.shape_cast %swap3A_40 : vector<1x64x256xf32> to vector<64x256xf32>
    %swap3A_42 = vector.shape_cast %slice3A_36 : vector<64x256xf32> to vector<1x64x256xf32>
    tpu.vector_store %arg2[%swap3A_37, %swap3A_38, %swap3A_39], %swap3A_42 {strides = array<i32>} : memref<100x64x256xf32, #tpu.memory_space<vmem>>, vector<1x64x256xf32>,
    %slice3A_43 = vector.extract_strided_slice %transpose3A_35 {offsets = [64, 0], sizes = [64, 256], strides = [1, 1]} : vector<128x256xf32> to vector<64x256xf32>
    %swap3A_44 = arith.constant 5 : index
    %swap3A_45 = arith.constant 0 : index
    %swap3A_46 = arith.constant 0 : index
    %swap3A_47 = vector.load %arg2[%swap3A_44, %swap3A_45, %swap3A_46] : memref<100x64x256xf32, #tpu.memory_space<vmem>>, vector<1x64x256xf32>
    %swap3A_48 = vector.shape_cast %swap3A_47 : vector<1x64x256xf32> to vector<64x256xf32>
    %swap3A_49 = vector.shape_cast %slice3A_43 : vector<64x256xf32> to vector<1x64x256xf32>
    tpu.vector_store %arg2[%swap3A_44, %swap3A_45, %swap3A_46], %swap3A_49 {strides = array<i32>} : memref<100x64x256xf32, #tpu.memory_space<vmem>>, vector<1x64x256xf32>,
    %slice3A_50 = vector.extract_strided_slice %get3A_2 {offsets = [0, 3, 0], sizes = [256, 1, 128], strides = [1, 1, 1]} : vector<256x56x128xf32> to vector<256x1x128xf32>
    %squeeze3A_51 = vector.shape_cast %slice3A_50 : vector<256x1x128xf32> to vector<256x128xf32>
    %transpose3A_52 = tpu.transpose %squeeze3A_51, [1, 0] : vector<256x128xf32> -> vector<128x256xf32>
    %slice3A_53 = vector.extract_strided_slice %transpose3A_52 {offsets = [0, 0], sizes = [64, 256], strides = [1, 1]} : vector<128x256xf32> to vector<64x256xf32>
    %swap3A_54 = arith.constant 6 : index
    %swap3A_55 = arith.constant 0 : index
    %swap3A_56 = arith.constant 0 : index
    %swap3A_57 = vector.load %arg2[%swap3A_54, %swap3A_55, %swap3A_56] : memref<100x64x256xf32, #tpu.memory_space<vmem>>, vector<1x64x256xf32>
    %swap3A_58 = vector.shape_cast %swap3A_57 : vector<1x64x256xf32> to vector<64x256xf32>
    %swap3A_59 = vector.shape_cast %slice3A_53 : vector<64x256xf32> to vector<1x64x256xf32>
    tpu.vector_store %arg2[%swap3A_54, %swap3A_55, %swap3A_56], %swap3A_59 {strides = array<i32>} : memref<100x64x256xf32, #tpu.memory_space<vmem>>, vector<1x64x256xf32>,
    %slice3A_60 = vector.extract_strided_slice %transpose3A_52 {offsets = [64, 0], sizes = [64, 256], strides = [1, 1]} : vector<128x256xf32> to vector<64x256xf32>
    %swap3A_61 = arith.constant 7 : index
    %swap3A_62 = arith.constant 0 : index
    %swap3A_63 = arith.constant 0 : index
    %swap3A_64 = vector.load %arg2[%swap3A_61, %swap3A_62, %swap3A_63] : memref<100x64x256xf32, #tpu.memory_space<vmem>>, vector<1x64x256xf32>
    %swap3A_65 = vector.shape_cast %swap3A_64 : vector<1x64x256xf32> to vector<64x256xf32>
    %swap3A_66 = vector.shape_cast %slice3A_60 : vector<64x256xf32> to vector<1x64x256xf32>
    tpu.vector_store %arg2[%swap3A_61, %swap3A_62, %swap3A_63], %swap3A_66 {strides = array<i32>} : memref<100x64x256xf32, #tpu.memory_space<vmem>>, vector<1x64x256xf32>,
    %slice3A_67 = vector.extract_strided_slice %get3A_2 {offsets = [0, 4, 0], sizes = [256, 1, 128], strides = [1, 1, 1]} : vector<256x56x128xf32> to vector<256x1x128xf32>
    %squeeze3A_68 = vector.shape_cast %slice3A_67 : vector<256x1x128xf32> to vector<256x128xf32>
    %transpose3A_69 = tpu.transpose %squeeze3A_68, [1, 0] : vector<256x128xf32> -> vector<128x256xf32>
    %slice3A_70 = vector.extract_strided_slice %transpose3A_69 {offsets = [0, 0], sizes = [64, 256], strides = [1, 1]} : vector<128x256xf32> to vector<64x256xf32>
    %swap3A_71 = arith.constant 8 : index
    %swap3A_72 = arith.constant 0 : index
    %swap3A_73 = arith.constant 0 : index
    %swap3A_74 = vector.load %arg2[%swap3A_71, %swap3A_72, %swap3A_73] : memref<100x64x256xf32, #tpu.memory_space<vmem>>, vector<1x64x256xf32>
    %swap3A_75 = vector.shape_cast %swap3A_74 : vector<1x64x256xf32> to vector<64x256xf32>
    %swap3A_76 = vector.shape_cast %slice3A_70 : vector<64x256xf32> to vector<1x64x256xf32>
    tpu.vector_store %arg2[%swap3A_71, %swap3A_72, %swap3A_73], %swap3A_76 {strides = array<i32>} : memref<100x64x256xf32, #tpu.memory_space<vmem>>, vector<1x64x256xf32>,
    %slice3A_77 = vector.extract_strided_slice %transpose3A_69 {offsets = [64, 0], sizes = [64, 256], strides = [1, 1]} : vector<128x256xf32> to vector<64x256xf32>
    %swap3A_78 = arith.constant 9 : index
    %swap3A_79 = arith.constant 0 : index
    %swap3A_80 = arith.constant 0 : index
    %swap3A_81 = vector.load %arg2[%swap3A_78, %swap3A_79, %swap3A_80] : memref<100x64x256xf32, #tpu.memory_space<vmem>>, vector<1x64x256xf32>
    %swap3A_82 = vector.shape_cast %swap3A_81 : vector<1x64x256xf32> to vector<64x256xf32>
    %swap3A_83 = vector.shape_cast %slice3A_77 : vector<64x256xf32> to vector<1x64x256xf32>
    tpu.vector_store %arg2[%swap3A_78, %swap3A_79, %swap3A_80], %swap3A_83 {strides = array<i32>} : memref<100x64x256xf32, #tpu.memory_space<vmem>>, vector<1x64x256xf32>,
    %slice3A_84 = vector.extract_strided_slice %get3A_2 {offsets = [0, 5, 0], sizes = [256, 1, 128], strides = [1, 1, 1]} : vector<256x56x128xf32> to vector<256x1x128xf32>
    %squeeze3A_85 = vector.shape_cast %slice3A_84 : vector<256x1x128xf32> to vector<256x128xf32>
    %transpose3A_86 = tpu.transpose %squeeze3A_85, [1, 0] : vector<256x128xf32> -> vector<128x256xf32>
    %slice3A_87 = vector.extract_strided_slice %transpose3A_86 {offsets = [0, 0], sizes = [64, 256], strides = [1, 1]} : vector<128x256xf32> to vector<64x256xf32>
    %swap3A_88 = arith.constant 10 : index
    %swap3A_89 = arith.constant 0 : index
    %swap3A_90 = arith.constant 0 : index
    %swap3A_91 = vector.load %arg2[%swap3A_88, %swap3A_89, %swap3A_90] : memref<100x64x256xf32, #tpu.memory_space<vmem>>, vector<1x64x256xf32>
    %swap3A_92 = vector.shape_cast %swap3A_91 : vector<1x64x256xf32> to vector<64x256xf32>
    %swap3A_93 = vector.shape_cast %slice3A_87 : vector<64x256xf32> to vector<1x64x256xf32>
    tpu.vector_store %arg2[%swap3A_88, %swap3A_89, %swap3A_90], %swap3A_93 {strides = array<i32>} : memref<100x64x256xf32, #tpu.memory_space<vmem>>, vector<1x64x256xf32>,
    %slice3A_94 = vector.extract_strided_slice %transpose3A_86 {offsets = [64, 0], sizes = [64, 256], strides = [1, 1]} : vector<128x256xf32> to vector<64x256xf32>
    %swap3A_95 = arith.constant 11 : index
    %swap3A_96 = arith.constant 0 : index
    %swap3A_97 = arith.constant 0 : index
    %swap3A_98 = vector.load %arg2[%swap3A_95, %swap3A_96, %swap3A_97] : memref<100x64x256xf32, #tpu.memory_space<vmem>>, vector<1x64x256xf32>
    %swap3A_99 = vector.shape_cast %swap3A_98 : vector<1x64x256xf32> to vector<64x256xf32>
    %swap3A_100 = vector.shape_cast %slice3A_94 : vector<64x256xf32> to vector<1x64x256xf32>
    tpu.vector_store %arg2[%swap3A_95, %swap3A_96, %swap3A_97], %swap3A_100 {strides = array<i32>} : memref<100x64x256xf32, #tpu.memory_space<vmem>>, vector<1x64x256xf32>,
    %slice3A_101 = vector.extract_strided_slice %get3A_2 {offsets = [0, 6, 0], sizes = [256, 1, 128], strides = [1, 1, 1]} : vector<256x56x128xf32> to vector<256x1x128xf32>
    %squeeze3A_102 = vector.shape_cast %slice3A_101 : vector<256x1x128xf32> to vector<256x128xf32>
    %transpose3A_103 = tpu.transpose %squeeze3A_102, [1, 0] : vector<256x128xf32> -> vector<128x256xf32>
    %slice3A_104 = vector.extract_strided_slice %transpose3A_103 {offsets = [0, 0], sizes = [64, 256], strides = [1, 1]} : vector<128x256xf32> to vector<64x256xf32>
    %swap3A_105 = arith.constant 12 : index
    %swap3A_106 = arith.constant 0 : index
    %swap3A_107 = arith.constant 0 : index
    %swap3A_108 = vector.load %arg2[%swap3A_105, %swap3A_106, %swap3A_107] : memref<100x64x256xf32, #tpu.memory_space<vmem>>, vector<1x64x256xf32>
    %swap3A_109 = vector.shape_cast %swap3A_108 : vector<1x64x256xf32> to vector<64x256xf32>
    %swap3A_110 = vector.shape_cast %slice3A_104 : vector<64x256xf32> to vector<1x64x256xf32>
    tpu.vector_store %arg2[%swap3A_105, %swap3A_106, %swap3A_107], %swap3A_110 {strides = array<i32>} : memref<100x64x256xf32, #tpu.memory_space<vmem>>, vector<1x64x256xf32>,
    %slice3A_111 = vector.extract_strided_slice %transpose3A_103 {offsets = [64, 0], sizes = [64, 256], strides = [1, 1]} : vector<128x256xf32> to vector<64x256xf32>
    %swap3A_112 = arith.constant 13 : index
    %swap3A_113 = arith.constant 0 : index
    %swap3A_114 = arith.constant 0 : index
    %swap3A_115 = vector.load %arg2[%swap3A_112, %swap3A_113, %swap3A_114] : memref<100x64x256xf32, #tpu.memory_space<vmem>>, vector<1x64x256xf32>
    %swap3A_116 = vector.shape_cast %swap3A_115 : vector<1x64x256xf32> to vector<64x256xf32>
    %swap3A_117 = vector.shape_cast %slice3A_111 : vector<64x256xf32> to vector<1x64x256xf32>
    tpu.vector_store %arg2[%swap3A_112, %swap3A_113, %swap3A_114], %swap3A_117 {strides = array<i32>} : memref<100x64x256xf32, #tpu.memory_space<vmem>>, vector<1x64x256xf32>,
    %slice3A_118 = vector.extract_strided_slice %get3A_2 {offsets = [0, 7, 0], sizes = [256, 1, 128], strides = [1, 1, 1]} : vector<256x56x128xf32> to vector<256x1x128xf32>
    %squeeze3A_119 = vector.shape_cast %slice3A_118 : vector<256x1x128xf32> to vector<256x128xf32>
    %transpose3A_120 = tpu.transpose %squeeze3A_119, [1, 0] : vector<256x128xf32> -> vector<128x256xf32>
    %slice3A_121 = vector.extract_strided_slice %transpose3A_120 {offsets = [0, 0], sizes = [64, 256], strides = [1, 1]} : vector<128x256xf32> to vector<64x256xf32>
    %swap3A_122 = arith.constant 14 : index
    %swap3A_123 = arith.constant 0 : index
    %swap3A_124 = arith.constant 0 : index
    %swap3A_125 = vector.load %arg2[%swap3A_122, %swap3A_123, %swap3A_124] : memref<100x64x256xf32, #tpu.memory_space<vmem>>, vector<1x64x256xf32>
    %swap3A_126 = vector.shape_cast %swap3A_125 : vector<1x64x256xf32> to vector<64x256xf32>
    %swap3A_127 = vector.shape_cast %slice3A_121 : vector<64x256xf32> to vector<1x64x256xf32>
    tpu.vector_store %arg2[%swap3A_122, %swap3A_123, %swap3A_124], %swap3A_127 {strides = array<i32>} : memref<100x64x256xf32, #tpu.memory_space<vmem>>, vector<1x64x256xf32>,
    %slice3A_128 = vector.extract_strided_slice %transpose3A_120 {offsets = [64, 0], sizes = [64, 256], strides = [1, 1]} : vector<128x256xf32> to vector<64x256xf32>
    %swap3A_129 = arith.constant 15 : index
    %swap3A_130 = arith.constant 0 : index
    %swap3A_131 = arith.constant 0 : index
    %swap3A_132 = vector.load %arg2[%swap3A_129, %swap3A_130, %swap3A_131] : memref<100x64x256xf32, #tpu.memory_space<vmem>>, vector<1x64x256xf32>
    %swap3A_133 = vector.shape_cast %swap3A_132 : vector<1x64x256xf32> to vector<64x256xf32>
    %swap3A_134 = vector.shape_cast %slice3A_128 : vector<64x256xf32> to vector<1x64x256xf32>
    tpu.vector_store %arg2[%swap3A_129, %swap3A_130, %swap3A_131], %swap3A_134 {strides = array<i32>} : memref<100x64x256xf32, #tpu.memory_space<vmem>>, vector<1x64x256xf32>,
    %slice3A_135 = vector.extract_strided_slice %get3A_2 {offsets = [0, 8, 0], sizes = [256, 1, 128], strides = [1, 1, 1]} : vector<256x56x128xf32> to vector<256x1x128xf32>
    %squeeze3A_136 = vector.shape_cast %slice3A_135 : vector<256x1x128xf32> to vector<256x128xf32>
    %transpose3A_137 = tpu.transpose %squeeze3A_136, [1, 0] : vector<256x128xf32> -> vector<128x256xf32>
    %slice3A_138 = vector.extract_strided_slice %transpose3A_137 {offsets = [0, 0], sizes = [64, 256], strides = [1, 1]} : vector<128x256xf32> to vector<64x256xf32>
    %swap3A_139 = arith.constant 16 : index
    %swap3A_140 = arith.constant 0 : index
    %swap3A_141 = arith.constant 0 : index
    %swap3A_142 = vector.load %arg2[%swap3A_139, %swap3A_140, %swap3A_141] : memref<100x64x256xf32, #tpu.memory_space<vmem>>, vector<1x64x256xf32>
    %swap3A_143 = vector.shape_cast %swap3A_142 : vector<1x64x256xf32> to vector<64x256xf32>
    %swap3A_144 = vector.shape_cast %slice3A_138 : vector<64x256xf32> to vector<1x64x256xf32>
    tpu.vector_store %arg2[%swap3A_139, %swap3A_140, %swap3A_141], %swap3A_144 {strides = array<i32>} : memref<100x64x256xf32, #tpu.memory_space<vmem>>, vector<1x64x256xf32>,
    %slice3A_145 = vector.extract_strided_slice %transpose3A_137 {offsets = [64, 0], sizes = [64, 256], strides = [1, 1]} : vector<128x256xf32> to vector<64x256xf32>
    %swap3A_146 = arith.constant 17 : index
    %swap3A_147 = arith.constant 0 : index
    %swap3A_148 = arith.constant 0 : index
    %swap3A_149 = vector.load %arg2[%swap3A_146, %swap3A_147, %swap3A_148] : memref<100x64x256xf32, #tpu.memory_space<vmem>>, vector<1x64x256xf32>
    %swap3A_150 = vector.shape_cast %swap3A_149 : vector<1x64x256xf32> to vector<64x256xf32>
    %swap3A_151 = vector.shape_cast %slice3A_145 : vector<64x256xf32> to vector<1x64x256xf32>
    tpu.vector_store %arg2[%swap3A_146, %swap3A_147, %swap3A_148], %swap3A_151 {strides = array<i32>} : memref<100x64x256xf32, #tpu.memory_space<vmem>>, vector<1x64x256xf32>,
    %slice3A_152 = vector.extract_strided_slice %get3A_2 {offsets = [0, 9, 0], sizes = [256, 1, 128], strides = [1, 1, 1]} : vector<256x56x128xf32> to vector<256x1x128xf32>
    %squeeze3A_153 = vector.shape_cast %slice3A_152 : vector<256x1x128xf32> to vector<256x128xf32>
    %transpose3A_154 = tpu.transpose %squeeze3A_153, [1, 0] : vector<256x128xf32> -> vector<128x256xf32>
    %slice3A_155 = vector.extract_strided_slice %transpose3A_154 {offsets = [0, 0], sizes = [64, 256], strides = [1, 1]} : vector<128x256xf32> to vector<64x256xf32>
    %swap3A_156 = arith.constant 18 : index
    %swap3A_157 = arith.constant 0 : index
    %swap3A_158 = arith.constant 0 : index
    %swap3A_159 = vector.load %arg2[%swap3A_156, %swap3A_157, %swap3A_158] : memref<100x64x256xf32, #tpu.memory_space<vmem>>, vector<1x64x256xf32>
    %swap3A_160 = vector.shape_cast %swap3A_159 : vector<1x64x256xf32> to vector<64x256xf32>
    %swap3A_161 = vector.shape_cast %slice3A_155 : vector<64x256xf32> to vector<1x64x256xf32>
    tpu.vector_store %arg2[%swap3A_156, %swap3A_157, %swap3A_158], %swap3A_161 {strides = array<i32>} : memref<100x64x256xf32, #tpu.memory_space<vmem>>, vector<1x64x256xf32>,
    %slice3A_162 = vector.extract_strided_slice %transpose3A_154 {offsets = [64, 0], sizes = [64, 256], strides = [1, 1]} : vector<128x256xf32> to vector<64x256xf32>
    %swap3A_163 = arith.constant 19 : index
    %swap3A_164 = arith.constant 0 : index
    %swap3A_165 = arith.constant 0 : index
    %swap3A_166 = vector.load %arg2[%swap3A_163, %swap3A_164, %swap3A_165] : memref<100x64x256xf32, #tpu.memory_space<vmem>>, vector<1x64x256xf32>
    %swap3A_167 = vector.shape_cast %swap3A_166 : vector<1x64x256xf32> to vector<64x256xf32>
    %swap3A_168 = vector.shape_cast %slice3A_162 : vector<64x256xf32> to vector<1x64x256xf32>
    tpu.vector_store %arg2[%swap3A_163, %swap3A_164, %swap3A_165], %swap3A_168 {strides = array<i32>} : memref<100x64x256xf32, #tpu.memory_space<vmem>>, vector<1x64x256xf32>,
    %slice3A_169 = vector.extract_strided_slice %get3A_2 {offsets = [0, 10, 0], sizes = [256, 1, 128], strides = [1, 1, 1]} : vector<256x56x128xf32> to vector<256x1x128xf32>
    %squeeze3A_170 = vector.shape_cast %slice3A_169 : vector<256x1x128xf32> to vector<256x128xf32>
    %transpose3A_171 = tpu.transpose %squeeze3A_170, [1, 0] : vector<256x128xf32> -> vector<128x256xf32>
    %slice3A_172 = vector.extract_strided_slice %transpose3A_171 {offsets = [0, 0], sizes = [64, 256], strides = [1, 1]} : vector<128x256xf32> to vector<64x256xf32>
    %swap3A_173 = arith.constant 20 : index
    %swap3A_174 = arith.constant 0 : index
    %swap3A_175 = arith.constant 0 : index
    %swap3A_176 = vector.load %arg2[%swap3A_173, %swap3A_174, %swap3A_175] : memref<100x64x256xf32, #tpu.memory_space<vmem>>, vector<1x64x256xf32>
    %swap3A_177 = vector.shape_cast %swap3A_176 : vector<1x64x256xf32> to vector<64x256xf32>
    %swap3A_178 = vector.shape_cast %slice3A_172 : vector<64x256xf32> to vector<1x64x256xf32>
    tpu.vector_store %arg2[%swap3A_173, %swap3A_174, %swap3A_175], %swap3A_178 {strides = array<i32>} : memref<100x64x256xf32, #tpu.memory_space<vmem>>, vector<1x64x256xf32>,
    %slice3A_179 = vector.extract_strided_slice %transpose3A_171 {offsets = [64, 0], sizes = [64, 256], strides = [1, 1]} : vector<128x256xf32> to vector<64x256xf32>
    %swap3A_180 = arith.constant 21 : index
    %swap3A_181 = arith.constant 0 : index
    %swap3A_182 = arith.constant 0 : index
    %swap3A_183 = vector.load %arg2[%swap3A_180, %swap3A_181, %swap3A_182] : memref<100x64x256xf32, #tpu.memory_space<vmem>>, vector<1x64x256xf32>
    %swap3A_184 = vector.shape_cast %swap3A_183 : vector<1x64x256xf32> to vector<64x256xf32>
    %swap3A_185 = vector.shape_cast %slice3A_179 : vector<64x256xf32> to vector<1x64x256xf32>
    tpu.vector_store %arg2[%swap3A_180, %swap3A_181, %swap3A_182], %swap3A_185 {strides = array<i32>} : memref<100x64x256xf32, #tpu.memory_space<vmem>>, vector<1x64x256xf32>,
    %slice3A_186 = vector.extract_strided_slice %get3A_2 {offsets = [0, 11, 0], sizes = [256, 1, 128], strides = [1, 1, 1]} : vector<256x56x128xf32> to vector<256x1x128xf32>
    %squeeze3A_187 = vector.shape_cast %slice3A_186 : vector<256x1x128xf32> to vector<256x128xf32>
    %transpose3A_188 = tpu.transpose %squeeze3A_187, [1, 0] : vector<256x128xf32> -> vector<128x256xf32>
    %slice3A_189 = vector.extract_strided_slice %transpose3A_188 {offsets = [0, 0], sizes = [64, 256], strides = [1, 1]} : vector<128x256xf32> to vector<64x256xf32>
    %swap3A_190 = arith.constant 22 : index
    %swap3A_191 = arith.constant 0 : index
    %swap3A_192 = arith.constant 0 : index
    %swap3A_193 = vector.load %arg2[%swap3A_190, %swap3A_191, %swap3A_192] : memref<100x64x256xf32, #tpu.memory_space<vmem>>, vector<1x64x256xf32>
    %swap3A_194 = vector.shape_cast %swap3A_193 : vector<1x64x256xf32> to vector<64x256xf32>
    %swap3A_195 = vector.shape_cast %slice3A_189 : vector<64x256xf32> to vector<1x64x256xf32>
    tpu.vector_store %arg2[%swap3A_190, %swap3A_191, %swap3A_192], %swap3A_195 {strides = array<i32>} : memref<100x64x256xf32, #tpu.memory_space<vmem>>, vector<1x64x256xf32>,
    %slice3A_196 = vector.extract_strided_slice %transpose3A_188 {offsets = [64, 0], sizes = [64, 256], strides = [1, 1]} : vector<128x256xf32> to vector<64x256xf32>
    %swap3A_197 = arith.constant 23 : index
    %swap3A_198 = arith.constant 0 : index
    %swap3A_199 = arith.constant 0 : index
    %swap3A_200 = vector.load %arg2[%swap3A_197, %swap3A_198, %swap3A_199] : memref<100x64x256xf32, #tpu.memory_space<vmem>>, vector<1x64x256xf32>
    %swap3A_201 = vector.shape_cast %swap3A_200 : vector<1x64x256xf32> to vector<64x256xf32>
    %swap3A_202 = vector.shape_cast %slice3A_196 : vector<64x256xf32> to vector<1x64x256xf32>
    tpu.vector_store %arg2[%swap3A_197, %swap3A_198, %swap3A_199], %swap3A_202 {strides = array<i32>} : memref<100x64x256xf32, #tpu.memory_space<vmem>>, vector<1x64x256xf32>,
    %slice3A_203 = vector.extract_strided_slice %get3A_2 {offsets = [0, 12, 0], sizes = [256, 1, 128], strides = [1, 1, 1]} : vector<256x56x128xf32> to vector<256x1x128xf32>
    %squeeze3A_204 = vector.shape_cast %slice3A_203 : vector<256x1x128xf32> to vector<256x128xf32>
    %transpose3A_205 = tpu.transpose %squeeze3A_204, [1, 0] : vector<256x128xf32> -> vector<128x256xf32>
    %slice3A_206 = vector.extract_strided_slice %transpose3A_205 {offsets = [0, 0], sizes = [64, 256], strides = [1, 1]} : vector<128x256xf32> to vector<64x256xf32>
    %swap3A_207 = arith.constant 24 : index
    %swap3A_208 = arith.constant 0 : index
    %swap3A_209 = arith.constant 0 : index
    %swap3A_210 = vector.load %arg2[%swap3A_207, %swap3A_208, %swap3A_209] : memref<100x64x256xf32, #tpu.memory_space<vmem>>, vector<1x64x256xf32>
    %swap3A_211 = vector.shape_cast %swap3A_210 : vector<1x64x256xf32> to vector<64x256xf32>
    %swap3A_212 = vector.shape_cast %slice3A_206 : vector<64x256xf32> to vector<1x64x256xf32>
    tpu.vector_store %arg2[%swap3A_207, %swap3A_208, %swap3A_209], %swap3A_212 {strides = array<i32>} : memref<100x64x256xf32, #tpu.memory_space<vmem>>, vector<1x64x256xf32>,
    %slice3A_213 = vector.extract_strided_slice %transpose3A_205 {offsets = [64, 0], sizes = [64, 256], strides = [1, 1]} : vector<128x256xf32> to vector<64x256xf32>
    %swap3A_214 = arith.constant 25 : index
    %swap3A_215 = arith.constant 0 : index
    %swap3A_216 = arith.constant 0 : index
    %swap3A_217 = vector.load %arg2[%swap3A_214, %swap3A_215, %swap3A_216] : memref<100x64x256xf32, #tpu.memory_space<vmem>>, vector<1x64x256xf32>
    %swap3A_218 = vector.shape_cast %swap3A_217 : vector<1x64x256xf32> to vector<64x256xf32>
    %swap3A_219 = vector.shape_cast %slice3A_213 : vector<64x256xf32> to vector<1x64x256xf32>
    tpu.vector_store %arg2[%swap3A_214, %swap3A_215, %swap3A_216], %swap3A_219 {strides = array<i32>} : memref<100x64x256xf32, #tpu.memory_space<vmem>>, vector<1x64x256xf32>,
    %slice3A_220 = vector.extract_strided_slice %get3A_2 {offsets = [0, 13, 0], sizes = [256, 1, 128], strides = [1, 1, 1]} : vector<256x56x128xf32> to vector<256x1x128xf32>
    %squeeze3A_221 = vector.shape_cast %slice3A_220 : vector<256x1x128xf32> to vector<256x128xf32>
    %transpose3A_222 = tpu.transpose %squeeze3A_221, [1, 0] : vector<256x128xf32> -> vector<128x256xf32>
    %slice3A_223 = vector.extract_strided_slice %transpose3A_222 {offsets = [0, 0], sizes = [64, 256], strides = [1, 1]} : vector<128x256xf32> to vector<64x256xf32>
    %swap3A_224 = arith.constant 26 : index
    %swap3A_225 = arith.constant 0 : index
    %swap3A_226 = arith.constant 0 : index
    %swap3A_227 = vector.load %arg2[%swap3A_224, %swap3A_225, %swap3A_226] : memref<100x64x256xf32, #tpu.memory_space<vmem>>, vector<1x64x256xf32>
    %swap3A_228 = vector.shape_cast %swap3A_227 : vector<1x64x256xf32> to vector<64x256xf32>
    %swap3A_229 = vector.shape_cast %slice3A_223 : vector<64x256xf32> to vector<1x64x256xf32>
    tpu.vector_store %arg2[%swap3A_224, %swap3A_225, %swap3A_226], %swap3A_229 {strides = array<i32>} : memref<100x64x256xf32, #tpu.memory_space<vmem>>, vector<1x64x256xf32>,
    %slice3A_230 = vector.extract_strided_slice %transpose3A_222 {offsets = [64, 0], sizes = [64, 256], strides = [1, 1]} : vector<128x256xf32> to vector<64x256xf32>
    %swap3A_231 = arith.constant 27 : index
    %swap3A_232 = arith.constant 0 : index
    %swap3A_233 = arith.constant 0 : index
    %swap3A_234 = vector.load %arg2[%swap3A_231, %swap3A_232, %swap3A_233] : memref<100x64x256xf32, #tpu.memory_space<vmem>>, vector<1x64x256xf32>
    %swap3A_235 = vector.shape_cast %swap3A_234 : vector<1x64x256xf32> to vector<64x256xf32>
    %swap3A_236 = vector.shape_cast %slice3A_230 : vector<64x256xf32> to vector<1x64x256xf32>
    tpu.vector_store %arg2[%swap3A_231, %swap3A_232, %swap3A_233], %swap3A_236 {strides = array<i32>} : memref<100x64x256xf32, #tpu.memory_space<vmem>>, vector<1x64x256xf32>,
    %slice3A_237 = vector.extract_strided_slice %get3A_2 {offsets = [0, 14, 0], sizes = [256, 1, 128], strides = [1, 1, 1]} : vector<256x56x128xf32> to vector<256x1x128xf32>
    %squeeze3A_238 = vector.shape_cast %slice3A_237 : vector<256x1x128xf32> to vector<256x128xf32>
    %transpose3A_239 = tpu.transpose %squeeze3A_238, [1, 0] : vector<256x128xf32> -> vector<128x256xf32>
    %slice3A_240 = vector.extract_strided_slice %transpose3A_239 {offsets = [0, 0], sizes = [64, 256], strides = [1, 1]} : vector<128x256xf32> to vector<64x256xf32>
    %swap3A_241 = arith.constant 28 : index
    %swap3A_242 = arith.constant 0 : index
    %swap3A_243 = arith.constant 0 : index
    %swap3A_244 = vector.load %arg2[%swap3A_241, %swap3A_242, %swap3A_243] : memref<100x64x256xf32, #tpu.memory_space<vmem>>, vector<1x64x256xf32>
    %swap3A_245 = vector.shape_cast %swap3A_244 : vector<1x64x256xf32> to vector<64x256xf32>
    %swap3A_246 = vector.shape_cast %slice3A_240 : vector<64x256xf32> to vector<1x64x256xf32>
    tpu.vector_store %arg2[%swap3A_241, %swap3A_242, %swap3A_243], %swap3A_246 {strides = array<i32>} : memref<100x64x256xf32, #tpu.memory_space<vmem>>, vector<1x64x256xf32>,
    %slice3A_247 = vector.extract_strided_slice %transpose3A_239 {offsets = [64, 0], sizes = [64, 256], strides = [1, 1]} : vector<128x256xf32> to vector<64x256xf32>
    %swap3A_248 = arith.constant 29 : index
    %swap3A_249 = arith.constant 0 : index
    %swap3A_250 = arith.constant 0 : index
    %swap3A_251 = vector.load %arg2[%swap3A_248, %swap3A_249, %swap3A_250] : memref<100x64x256xf32, #tpu.memory_space<vmem>>, vector<1x64x256xf32>
    %swap3A_252 = vector.shape_cast %swap3A_251 : vector<1x64x256xf32> to vector<64x256xf32>
    %swap3A_253 = vector.shape_cast %slice3A_247 : vector<64x256xf32> to vector<1x64x256xf32>
    tpu.vector_store %arg2[%swap3A_248, %swap3A_249, %swap3A_250], %swap3A_253 {strides = array<i32>} : memref<100x64x256xf32, #tpu.memory_space<vmem>>, vector<1x64x256xf32>,
    %slice3A_254 = vector.extract_strided_slice %get3A_2 {offsets = [0, 15, 0], sizes = [256, 1, 128], strides = [1, 1, 1]} : vector<256x56x128xf32> to vector<256x1x128xf32>
    %squeeze3A_255 = vector.shape_cast %slice3A_254 : vector<256x1x128xf32> to vector<256x128xf32>
    %transpose3A_256 = tpu.transpose %squeeze3A_255, [1, 0] : vector<256x128xf32> -> vector<128x256xf32>
    %slice3A_257 = vector.extract_strided_slice %transpose3A_256 {offsets = [0, 0], sizes = [64, 256], strides = [1, 1]} : vector<128x256xf32> to vector<64x256xf32>
    %swap3A_258 = arith.constant 30 : index
    %swap3A_259 = arith.constant 0 : index
    %swap3A_260 = arith.constant 0 : index
    %swap3A_261 = vector.load %arg2[%swap3A_258, %swap3A_259, %swap3A_260] : memref<100x64x256xf32, #tpu.memory_space<vmem>>, vector<1x64x256xf32>
    %swap3A_262 = vector.shape_cast %swap3A_261 : vector<1x64x256xf32> to vector<64x256xf32>
    %swap3A_263 = vector.shape_cast %slice3A_257 : vector<64x256xf32> to vector<1x64x256xf32>
    tpu.vector_store %arg2[%swap3A_258, %swap3A_259, %swap3A_260], %swap3A_263 {strides = array<i32>} : memref<100x64x256xf32, #tpu.memory_space<vmem>>, vector<1x64x256xf32>,
    %slice3A_264 = vector.extract_strided_slice %transpose3A_256 {offsets = [64, 0], sizes = [64, 256], strides = [1, 1]} : vector<128x256xf32> to vector<64x256xf32>
    %swap3A_265 = arith.constant 31 : index
    %swap3A_266 = arith.constant 0 : index
    %swap3A_267 = arith.constant 0 : index
    %swap3A_268 = vector.load %arg2[%swap3A_265, %swap3A_266, %swap3A_267] : memref<100x64x256xf32, #tpu.memory_space<vmem>>, vector<1x64x256xf32>
    %swap3A_269 = vector.shape_cast %swap3A_268 : vector<1x64x256xf32> to vector<64x256xf32>
    %swap3A_270 = vector.shape_cast %slice3A_264 : vector<64x256xf32> to vector<1x64x256xf32>
    tpu.vector_store %arg2[%swap3A_265, %swap3A_266, %swap3A_267], %swap3A_270 {strides = array<i32>} : memref<100x64x256xf32, #tpu.memory_space<vmem>>, vector<1x64x256xf32>,
    %slice3A_271 = vector.extract_strided_slice %get3A_2 {offsets = [0, 16, 0], sizes = [256, 1, 128], strides = [1, 1, 1]} : vector<256x56x128xf32> to vector<256x1x128xf32>
    %squeeze3A_272 = vector.shape_cast %slice3A_271 : vector<256x1x128xf32> to vector<256x128xf32>
    %transpose3A_273 = tpu.transpose %squeeze3A_272, [1, 0] : vector<256x128xf32> -> vector<128x256xf32>
    %slice3A_274 = vector.extract_strided_slice %transpose3A_273 {offsets = [0, 0], sizes = [64, 256], strides = [1, 1]} : vector<128x256xf32> to vector<64x256xf32>
    %swap3A_275 = arith.constant 32 : index
    %swap3A_276 = arith.constant 0 : index
    %swap3A_277 = arith.constant 0 : index
    %swap3A_278 = vector.load %arg2[%swap3A_275, %swap3A_276, %swap3A_277] : memref<100x64x256xf32, #tpu.memory_space<vmem>>, vector<1x64x256xf32>
    %swap3A_279 = vector.shape_cast %swap3A_278 : vector<1x64x256xf32> to vector<64x256xf32>
    %swap3A_280 = vector.shape_cast %slice3A_274 : vector<64x256xf32> to vector<1x64x256xf32>
    tpu.vector_store %arg2[%swap3A_275, %swap3A_276, %swap3A_277], %swap3A_280 {strides = array<i32>} : memref<100x64x256xf32, #tpu.memory_space<vmem>>, vector<1x64x256xf32>,
    %slice3A_281 = vector.extract_strided_slice %transpose3A_273 {offsets = [64, 0], sizes = [64, 256], strides = [1, 1]} : vector<128x256xf32> to vector<64x256xf32>
    %swap3A_282 = arith.constant 33 : index
    %swap3A_283 = arith.constant 0 : index
    %swap3A_284 = arith.constant 0 : index
    %swap3A_285 = vector.load %arg2[%swap3A_282, %swap3A_283, %swap3A_284] : memref<100x64x256xf32, #tpu.memory_space<vmem>>, vector<1x64x256xf32>
    %swap3A_286 = vector.shape_cast %swap3A_285 : vector<1x64x256xf32> to vector<64x256xf32>
    %swap3A_287 = vector.shape_cast %slice3A_281 : vector<64x256xf32> to vector<1x64x256xf32>
    tpu.vector_store %arg2[%swap3A_282, %swap3A_283, %swap3A_284], %swap3A_287 {strides = array<i32>} : memref<100x64x256xf32, #tpu.memory_space<vmem>>, vector<1x64x256xf32>,
    %slice3A_288 = vector.extract_strided_slice %get3A_2 {offsets = [0, 17, 0], sizes = [256, 1, 128], strides = [1, 1, 1]} : vector<256x56x128xf32> to vector<256x1x128xf32>
    %squeeze3A_289 = vector.shape_cast %slice3A_288 : vector<256x1x128xf32> to vector<256x128xf32>
    %transpose3A_290 = tpu.transpose %squeeze3A_289, [1, 0] : vector<256x128xf32> -> vector<128x256xf32>
    %slice3A_291 = vector.extract_strided_slice %transpose3A_290 {offsets = [0, 0], sizes = [64, 256], strides = [1, 1]} : vector<128x256xf32> to vector<64x256xf32>
    %swap3A_292 = arith.constant 34 : index
    %swap3A_293 = arith.constant 0 : index
    %swap3A_294 = arith.constant 0 : index
    %swap3A_295 = vector.load %arg2[%swap3A_292, %swap3A_293, %swap3A_294] : memref<100x64x256xf32, #tpu.memory_space<vmem>>, vector<1x64x256xf32>
    %swap3A_296 = vector.shape_cast %swap3A_295 : vector<1x64x256xf32> to vector<64x256xf32>
    %swap3A_297 = vector.shape_cast %slice3A_291 : vector<64x256xf32> to vector<1x64x256xf32>
    tpu.vector_store %arg2[%swap3A_292, %swap3A_293, %swap3A_294], %swap3A_297 {strides = array<i32>} : memref<100x64x256xf32, #tpu.memory_space<vmem>>, vector<1x64x256xf32>,
    %slice3A_298 = vector.extract_strided_slice %transpose3A_290 {offsets = [64, 0], sizes = [64, 256], strides = [1, 1]} : vector<128x256xf32> to vector<64x256xf32>
    %swap3A_299 = arith.constant 35 : index
    %swap3A_300 = arith.constant 0 : index
    %swap3A_301 = arith.constant 0 : index
    %swap3A_302 = vector.load %arg2[%swap3A_299, %swap3A_300, %swap3A_301] : memref<100x64x256xf32, #tpu.memory_space<vmem>>, vector<1x64x256xf32>
    %swap3A_303 = vector.shape_cast %swap3A_302 : vector<1x64x256xf32> to vector<64x256xf32>
    %swap3A_304 = vector.shape_cast %slice3A_298 : vector<64x256xf32> to vector<1x64x256xf32>
    tpu.vector_store %arg2[%swap3A_299, %swap3A_300, %swap3A_301], %swap3A_304 {strides = array<i32>} : memref<100x64x256xf32, #tpu.memory_space<vmem>>, vector<1x64x256xf32>,
    %slice3A_305 = vector.extract_strided_slice %get3A_2 {offsets = [0, 18, 0], sizes = [256, 1, 128], strides = [1, 1, 1]} : vector<256x56x128xf32> to vector<256x1x128xf32>
    %squeeze3A_306 = vector.shape_cast %slice3A_305 : vector<256x1x128xf32> to vector<256x128xf32>
    %transpose3A_307 = tpu.transpose %squeeze3A_306, [1, 0] : vector<256x128xf32> -> vector<128x256xf32>
    %slice3A_308 = vector.extract_strided_slice %transpose3A_307 {offsets = [0, 0], sizes = [64, 256], strides = [1, 1]} : vector<128x256xf32> to vector<64x256xf32>
    %swap3A_309 = arith.constant 36 : index
    %swap3A_310 = arith.constant 0 : index
    %swap3A_311 = arith.constant 0 : index
    %swap3A_312 = vector.load %arg2[%swap3A_309, %swap3A_310, %swap3A_311] : memref<100x64x256xf32, #tpu.memory_space<vmem>>, vector<1x64x256xf32>
    %swap3A_313 = vector.shape_cast %swap3A_312 : vector<1x64x256xf32> to vector<64x256xf32>
    %swap3A_314 = vector.shape_cast %slice3A_308 : vector<64x256xf32> to vector<1x64x256xf32>
    tpu.vector_store %arg2[%swap3A_309, %swap3A_310, %swap3A_311], %swap3A_314 {strides = array<i32>} : memref<100x64x256xf32, #tpu.memory_space<vmem>>, vector<1x64x256xf32>,
    %slice3A_315 = vector.extract_strided_slice %transpose3A_307 {offsets = [64, 0], sizes = [64, 256], strides = [1, 1]} : vector<128x256xf32> to vector<64x256xf32>
    %swap3A_316 = arith.constant 37 : index
    %swap3A_317 = arith.constant 0 : index
    %swap3A_318 = arith.constant 0 : index
    %swap3A_319 = vector.load %arg2[%swap3A_316, %swap3A_317, %swap3A_318] : memref<100x64x256xf32, #tpu.memory_space<vmem>>, vector<1x64x256xf32>
    %swap3A_320 = vector.shape_cast %swap3A_319 : vector<1x64x256xf32> to vector<64x256xf32>
    %swap3A_321 = vector.shape_cast %slice3A_315 : vector<64x256xf32> to vector<1x64x256xf32>
    tpu.vector_store %arg2[%swap3A_316, %swap3A_317, %swap3A_318], %swap3A_321 {strides = array<i32>} : memref<100x64x256xf32, #tpu.memory_space<vmem>>, vector<1x64x256xf32>,
    %slice3A_322 = vector.extract_strided_slice %get3A_2 {offsets = [0, 19, 0], sizes = [256, 1, 128], strides = [1, 1, 1]} : vector<256x56x128xf32> to vector<256x1x128xf32>
    %squeeze3A_323 = vector.shape_cast %slice3A_322 : vector<256x1x128xf32> to vector<256x128xf32>
    %transpose3A_324 = tpu.transpose %squeeze3A_323, [1, 0] : vector<256x128xf32> -> vector<128x256xf32>
    %slice3A_325 = vector.extract_strided_slice %transpose3A_324 {offsets = [0, 0], sizes = [64, 256], strides = [1, 1]} : vector<128x256xf32> to vector<64x256xf32>
    %swap3A_326 = arith.constant 38 : index
    %swap3A_327 = arith.constant 0 : index
    %swap3A_328 = arith.constant 0 : index
    %swap3A_329 = vector.load %arg2[%swap3A_326, %swap3A_327, %swap3A_328] : memref<100x64x256xf32, #tpu.memory_space<vmem>>, vector<1x64x256xf32>
    %swap3A_330 = vector.shape_cast %swap3A_329 : vector<1x64x256xf32> to vector<64x256xf32>
    %swap3A_331 = vector.shape_cast %slice3A_325 : vector<64x256xf32> to vector<1x64x256xf32>
    tpu.vector_store %arg2[%swap3A_326, %swap3A_327, %swap3A_328], %swap3A_331 {strides = array<i32>} : memref<100x64x256xf32, #tpu.memory_space<vmem>>, vector<1x64x256xf32>,
    %slice3A_332 = vector.extract_strided_slice %transpose3A_324 {offsets = [64, 0], sizes = [64, 256], strides = [1, 1]} : vector<128x256xf32> to vector<64x256xf32>
    %swap3A_333 = arith.constant 39 : index
    %swap3A_334 = arith.constant 0 : index
    %swap3A_335 = arith.constant 0 : index
    %swap3A_336 = vector.load %arg2[%swap3A_333, %swap3A_334, %swap3A_335] : memref<100x64x256xf32, #tpu.memory_space<vmem>>, vector<1x64x256xf32>
    %swap3A_337 = vector.shape_cast %swap3A_336 : vector<1x64x256xf32> to vector<64x256xf32>
    %swap3A_338 = vector.shape_cast %slice3A_332 : vector<64x256xf32> to vector<1x64x256xf32>
    tpu.vector_store %arg2[%swap3A_333, %swap3A_334, %swap3A_335], %swap3A_338 {strides = array<i32>} : memref<100x64x256xf32, #tpu.memory_space<vmem>>, vector<1x64x256xf32>,
    %slice3A_339 = vector.extract_strided_slice %get3A_2 {offsets = [0, 20, 0], sizes = [256, 1, 128], strides = [1, 1, 1]} : vector<256x56x128xf32> to vector<256x1x128xf32>
    %squeeze3A_340 = vector.shape_cast %slice3A_339 : vector<256x1x128xf32> to vector<256x128xf32>
    %transpose3A_341 = tpu.transpose %squeeze3A_340, [1, 0] : vector<256x128xf32> -> vector<128x256xf32>
    %slice3A_342 = vector.extract_strided_slice %transpose3A_341 {offsets = [0, 0], sizes = [64, 256], strides = [1, 1]} : vector<128x256xf32> to vector<64x256xf32>
    %swap3A_343 = arith.constant 40 : index
    %swap3A_344 = arith.constant 0 : index
    %swap3A_345 = arith.constant 0 : index
    %swap3A_346 = vector.load %arg2[%swap3A_343, %swap3A_344, %swap3A_345] : memref<100x64x256xf32, #tpu.memory_space<vmem>>, vector<1x64x256xf32>
    %swap3A_347 = vector.shape_cast %swap3A_346 : vector<1x64x256xf32> to vector<64x256xf32>
    %swap3A_348 = vector.shape_cast %slice3A_342 : vector<64x256xf32> to vector<1x64x256xf32>
    tpu.vector_store %arg2[%swap3A_343, %swap3A_344, %swap3A_345], %swap3A_348 {strides = array<i32>} : memref<100x64x256xf32, #tpu.memory_space<vmem>>, vector<1x64x256xf32>,
    %slice3A_349 = vector.extract_strided_slice %transpose3A_341 {offsets = [64, 0], sizes = [64, 256], strides = [1, 1]} : vector<128x256xf32> to vector<64x256xf32>
    %swap3A_350 = arith.constant 41 : index
    %swap3A_351 = arith.constant 0 : index
    %swap3A_352 = arith.constant 0 : index
    %swap3A_353 = vector.load %arg2[%swap3A_350, %swap3A_351, %swap3A_352] : memref<100x64x256xf32, #tpu.memory_space<vmem>>, vector<1x64x256xf32>
    %swap3A_354 = vector.shape_cast %swap3A_353 : vector<1x64x256xf32> to vector<64x256xf32>
    %swap3A_355 = vector.shape_cast %slice3A_349 : vector<64x256xf32> to vector<1x64x256xf32>
    tpu.vector_store %arg2[%swap3A_350, %swap3A_351, %swap3A_352], %swap3A_355 {strides = array<i32>} : memref<100x64x256xf32, #tpu.memory_space<vmem>>, vector<1x64x256xf32>,
    %slice3A_356 = vector.extract_strided_slice %get3A_2 {offsets = [0, 21, 0], sizes = [256, 1, 128], strides = [1, 1, 1]} : vector<256x56x128xf32> to vector<256x1x128xf32>
    %squeeze3A_357 = vector.shape_cast %slice3A_356 : vector<256x1x128xf32> to vector<256x128xf32>
    %transpose3A_358 = tpu.transpose %squeeze3A_357, [1, 0] : vector<256x128xf32> -> vector<128x256xf32>
    %slice3A_359 = vector.extract_strided_slice %transpose3A_358 {offsets = [0, 0], sizes = [64, 256], strides = [1, 1]} : vector<128x256xf32> to vector<64x256xf32>
    %swap3A_360 = arith.constant 42 : index
    %swap3A_361 = arith.constant 0 : index
    %swap3A_362 = arith.constant 0 : index
    %swap3A_363 = vector.load %arg2[%swap3A_360, %swap3A_361, %swap3A_362] : memref<100x64x256xf32, #tpu.memory_space<vmem>>, vector<1x64x256xf32>
    %swap3A_364 = vector.shape_cast %swap3A_363 : vector<1x64x256xf32> to vector<64x256xf32>
    %swap3A_365 = vector.shape_cast %slice3A_359 : vector<64x256xf32> to vector<1x64x256xf32>
    tpu.vector_store %arg2[%swap3A_360, %swap3A_361, %swap3A_362], %swap3A_365 {strides = array<i32>} : memref<100x64x256xf32, #tpu.memory_space<vmem>>, vector<1x64x256xf32>,
    %slice3A_366 = vector.extract_strided_slice %transpose3A_358 {offsets = [64, 0], sizes = [64, 256], strides = [1, 1]} : vector<128x256xf32> to vector<64x256xf32>
    %swap3A_367 = arith.constant 43 : index
    %swap3A_368 = arith.constant 0 : index
    %swap3A_369 = arith.constant 0 : index
    %swap3A_370 = vector.load %arg2[%swap3A_367, %swap3A_368, %swap3A_369] : memref<100x64x256xf32, #tpu.memory_space<vmem>>, vector<1x64x256xf32>
    %swap3A_371 = vector.shape_cast %swap3A_370 : vector<1x64x256xf32> to vector<64x256xf32>
    %swap3A_372 = vector.shape_cast %slice3A_366 : vector<64x256xf32> to vector<1x64x256xf32>
    tpu.vector_store %arg2[%swap3A_367, %swap3A_368, %swap3A_369], %swap3A_372 {strides = array<i32>} : memref<100x64x256xf32, #tpu.memory_space<vmem>>, vector<1x64x256xf32>,
    %slice3A_373 = vector.extract_strided_slice %get3A_2 {offsets = [0, 22, 0], sizes = [256, 1, 128], strides = [1, 1, 1]} : vector<256x56x128xf32> to vector<256x1x128xf32>
    %squeeze3A_374 = vector.shape_cast %slice3A_373 : vector<256x1x128xf32> to vector<256x128xf32>
    %transpose3A_375 = tpu.transpose %squeeze3A_374, [1, 0] : vector<256x128xf32> -> vector<128x256xf32>
    %slice3A_376 = vector.extract_strided_slice %transpose3A_375 {offsets = [0, 0], sizes = [64, 256], strides = [1, 1]} : vector<128x256xf32> to vector<64x256xf32>
    %swap3A_377 = arith.constant 44 : index
    %swap3A_378 = arith.constant 0 : index
    %swap3A_379 = arith.constant 0 : index
    %swap3A_380 = vector.load %arg2[%swap3A_377, %swap3A_378, %swap3A_379] : memref<100x64x256xf32, #tpu.memory_space<vmem>>, vector<1x64x256xf32>
    %swap3A_381 = vector.shape_cast %swap3A_380 : vector<1x64x256xf32> to vector<64x256xf32>
    %swap3A_382 = vector.shape_cast %slice3A_376 : vector<64x256xf32> to vector<1x64x256xf32>
    tpu.vector_store %arg2[%swap3A_377, %swap3A_378, %swap3A_379], %swap3A_382 {strides = array<i32>} : memref<100x64x256xf32, #tpu.memory_space<vmem>>, vector<1x64x256xf32>,
    %slice3A_383 = vector.extract_strided_slice %transpose3A_375 {offsets = [64, 0], sizes = [64, 256], strides = [1, 1]} : vector<128x256xf32> to vector<64x256xf32>
    %swap3A_384 = arith.constant 45 : index
    %swap3A_385 = arith.constant 0 : index
    %swap3A_386 = arith.constant 0 : index
    %swap3A_387 = vector.load %arg2[%swap3A_384, %swap3A_385, %swap3A_386] : memref<100x64x256xf32, #tpu.memory_space<vmem>>, vector<1x64x256xf32>
    %swap3A_388 = vector.shape_cast %swap3A_387 : vector<1x64x256xf32> to vector<64x256xf32>
    %swap3A_389 = vector.shape_cast %slice3A_383 : vector<64x256xf32> to vector<1x64x256xf32>
    tpu.vector_store %arg2[%swap3A_384, %swap3A_385, %swap3A_386], %swap3A_389 {strides = array<i32>} : memref<100x64x256xf32, #tpu.memory_space<vmem>>, vector<1x64x256xf32>,
    %slice3A_390 = vector.extract_strided_slice %get3A_2 {offsets = [0, 23, 0], sizes = [256, 1, 128], strides = [1, 1, 1]} : vector<256x56x128xf32> to vector<256x1x128xf32>
    %squeeze3A_391 = vector.shape_cast %slice3A_390 : vector<256x1x128xf32> to vector<256x128xf32>
    %transpose3A_392 = tpu.transpose %squeeze3A_391, [1, 0] : vector<256x128xf32> -> vector<128x256xf32>
    %slice3A_393 = vector.extract_strided_slice %transpose3A_392 {offsets = [0, 0], sizes = [64, 256], strides = [1, 1]} : vector<128x256xf32> to vector<64x256xf32>
    %swap3A_394 = arith.constant 46 : index
    %swap3A_395 = arith.constant 0 : index
    %swap3A_396 = arith.constant 0 : index
    %swap3A_397 = vector.load %arg2[%swap3A_394, %swap3A_395, %swap3A_396] : memref<100x64x256xf32, #tpu.memory_space<vmem>>, vector<1x64x256xf32>
    %swap3A_398 = vector.shape_cast %swap3A_397 : vector<1x64x256xf32> to vector<64x256xf32>
    %swap3A_399 = vector.shape_cast %slice3A_393 : vector<64x256xf32> to vector<1x64x256xf32>
    tpu.vector_store %arg2[%swap3A_394, %swap3A_395, %swap3A_396], %swap3A_399 {strides = array<i32>} : memref<100x64x256xf32, #tpu.memory_space<vmem>>, vector<1x64x256xf32>,
    %slice3A_400 = vector.extract_strided_slice %transpose3A_392 {offsets = [64, 0], sizes = [64, 256], strides = [1, 1]} : vector<128x256xf32> to vector<64x256xf32>
    %swap3A_401 = arith.constant 47 : index
    %swap3A_402 = arith.constant 0 : index
    %swap3A_403 = arith.constant 0 : index
    %swap3A_404 = vector.load %arg2[%swap3A_401, %swap3A_402, %swap3A_403] : memref<100x64x256xf32, #tpu.memory_space<vmem>>, vector<1x64x256xf32>
    %swap3A_405 = vector.shape_cast %swap3A_404 : vector<1x64x256xf32> to vector<64x256xf32>
    %swap3A_406 = vector.shape_cast %slice3A_400 : vector<64x256xf32> to vector<1x64x256xf32>
    tpu.vector_store %arg2[%swap3A_401, %swap3A_402, %swap3A_403], %swap3A_406 {strides = array<i32>} : memref<100x64x256xf32, #tpu.memory_space<vmem>>, vector<1x64x256xf32>,
    %slice3A_407 = vector.extract_strided_slice %get3A_2 {offsets = [0, 24, 0], sizes = [256, 1, 128], strides = [1, 1, 1]} : vector<256x56x128xf32> to vector<256x1x128xf32>
    %squeeze3A_408 = vector.shape_cast %slice3A_407 : vector<256x1x128xf32> to vector<256x128xf32>
    %transpose3A_409 = tpu.transpose %squeeze3A_408, [1, 0] : vector<256x128xf32> -> vector<128x256xf32>
    %slice3A_410 = vector.extract_strided_slice %transpose3A_409 {offsets = [0, 0], sizes = [64, 256], strides = [1, 1]} : vector<128x256xf32> to vector<64x256xf32>
    %swap3A_411 = arith.constant 48 : index
    %swap3A_412 = arith.constant 0 : index
    %swap3A_413 = arith.constant 0 : index
    %swap3A_414 = vector.load %arg2[%swap3A_411, %swap3A_412, %swap3A_413] : memref<100x64x256xf32, #tpu.memory_space<vmem>>, vector<1x64x256xf32>
    %swap3A_415 = vector.shape_cast %swap3A_414 : vector<1x64x256xf32> to vector<64x256xf32>
    %swap3A_416 = vector.shape_cast %slice3A_410 : vector<64x256xf32> to vector<1x64x256xf32>
    tpu.vector_store %arg2[%swap3A_411, %swap3A_412, %swap3A_413], %swap3A_416 {strides = array<i32>} : memref<100x64x256xf32, #tpu.memory_space<vmem>>, vector<1x64x256xf32>,
    %slice3A_417 = vector.extract_strided_slice %transpose3A_409 {offsets = [64, 0], sizes = [64, 256], strides = [1, 1]} : vector<128x256xf32> to vector<64x256xf32>
    %swap3A_418 = arith.constant 49 : index
    %swap3A_419 = arith.constant 0 : index
    %swap3A_420 = arith.constant 0 : index
    %swap3A_421 = vector.load %arg2[%swap3A_418, %swap3A_419, %swap3A_420] : memref<100x64x256xf32, #tpu.memory_space<vmem>>, vector<1x64x256xf32>
    %swap3A_422 = vector.shape_cast %swap3A_421 : vector<1x64x256xf32> to vector<64x256xf32>
    %swap3A_423 = vector.shape_cast %slice3A_417 : vector<64x256xf32> to vector<1x64x256xf32>
    tpu.vector_store %arg2[%swap3A_418, %swap3A_419, %swap3A_420], %swap3A_423 {strides = array<i32>} : memref<100x64x256xf32, #tpu.memory_space<vmem>>, vector<1x64x256xf32>,
    %slice3A_424 = vector.extract_strided_slice %get3A_2 {offsets = [0, 25, 0], sizes = [256, 1, 128], strides = [1, 1, 1]} : vector<256x56x128xf32> to vector<256x1x128xf32>
    %squeeze3A_425 = vector.shape_cast %slice3A_424 : vector<256x1x128xf32> to vector<256x128xf32>
    %transpose3A_426 = tpu.transpose %squeeze3A_425, [1, 0] : vector<256x128xf32> -> vector<128x256xf32>
    %slice3A_427 = vector.extract_strided_slice %transpose3A_426 {offsets = [0, 0], sizes = [64, 256], strides = [1, 1]} : vector<128x256xf32> to vector<64x256xf32>
    %swap3A_428 = arith.constant 50 : index
    %swap3A_429 = arith.constant 0 : index
    %swap3A_430 = arith.constant 0 : index
    %swap3A_431 = vector.load %arg2[%swap3A_428, %swap3A_429, %swap3A_430] : memref<100x64x256xf32, #tpu.memory_space<vmem>>, vector<1x64x256xf32>
    %swap3A_432 = vector.shape_cast %swap3A_431 : vector<1x64x256xf32> to vector<64x256xf32>
    %swap3A_433 = vector.shape_cast %slice3A_427 : vector<64x256xf32> to vector<1x64x256xf32>
    tpu.vector_store %arg2[%swap3A_428, %swap3A_429, %swap3A_430], %swap3A_433 {strides = array<i32>} : memref<100x64x256xf32, #tpu.memory_space<vmem>>, vector<1x64x256xf32>,
    %slice3A_434 = vector.extract_strided_slice %transpose3A_426 {offsets = [64, 0], sizes = [64, 256], strides = [1, 1]} : vector<128x256xf32> to vector<64x256xf32>
    %swap3A_435 = arith.constant 51 : index
    %swap3A_436 = arith.constant 0 : index
    %swap3A_437 = arith.constant 0 : index
    %swap3A_438 = vector.load %arg2[%swap3A_435, %swap3A_436, %swap3A_437] : memref<100x64x256xf32, #tpu.memory_space<vmem>>, vector<1x64x256xf32>
    %swap3A_439 = vector.shape_cast %swap3A_438 : vector<1x64x256xf32> to vector<64x256xf32>
    %swap3A_440 = vector.shape_cast %slice3A_434 : vector<64x256xf32> to vector<1x64x256xf32>
    tpu.vector_store %arg2[%swap3A_435, %swap3A_436, %swap3A_437], %swap3A_440 {strides = array<i32>} : memref<100x64x256xf32, #tpu.memory_space<vmem>>, vector<1x64x256xf32>,
    %slice3A_441 = vector.extract_strided_slice %get3A_2 {offsets = [0, 26, 0], sizes = [256, 1, 128], strides = [1, 1, 1]} : vector<256x56x128xf32> to vector<256x1x128xf32>
    %squeeze3A_442 = vector.shape_cast %slice3A_441 : vector<256x1x128xf32> to vector<256x128xf32>
    %transpose3A_443 = tpu.transpose %squeeze3A_442, [1, 0] : vector<256x128xf32> -> vector<128x256xf32>
    %slice3A_444 = vector.extract_strided_slice %transpose3A_443 {offsets = [0, 0], sizes = [64, 256], strides = [1, 1]} : vector<128x256xf32> to vector<64x256xf32>
    %swap3A_445 = arith.constant 52 : index
    %swap3A_446 = arith.constant 0 : index
    %swap3A_447 = arith.constant 0 : index
    %swap3A_448 = vector.load %arg2[%swap3A_445, %swap3A_446, %swap3A_447] : memref<100x64x256xf32, #tpu.memory_space<vmem>>, vector<1x64x256xf32>
    %swap3A_449 = vector.shape_cast %swap3A_448 : vector<1x64x256xf32> to vector<64x256xf32>
    %swap3A_450 = vector.shape_cast %slice3A_444 : vector<64x256xf32> to vector<1x64x256xf32>
    tpu.vector_store %arg2[%swap3A_445, %swap3A_446, %swap3A_447], %swap3A_450 {strides = array<i32>} : memref<100x64x256xf32, #tpu.memory_space<vmem>>, vector<1x64x256xf32>,
    %slice3A_451 = vector.extract_strided_slice %transpose3A_443 {offsets = [64, 0], sizes = [64, 256], strides = [1, 1]} : vector<128x256xf32> to vector<64x256xf32>
    %swap3A_452 = arith.constant 53 : index
    %swap3A_453 = arith.constant 0 : index
    %swap3A_454 = arith.constant 0 : index
    %swap3A_455 = vector.load %arg2[%swap3A_452, %swap3A_453, %swap3A_454] : memref<100x64x256xf32, #tpu.memory_space<vmem>>, vector<1x64x256xf32>
    %swap3A_456 = vector.shape_cast %swap3A_455 : vector<1x64x256xf32> to vector<64x256xf32>
    %swap3A_457 = vector.shape_cast %slice3A_451 : vector<64x256xf32> to vector<1x64x256xf32>
    tpu.vector_store %arg2[%swap3A_452, %swap3A_453, %swap3A_454], %swap3A_457 {strides = array<i32>} : memref<100x64x256xf32, #tpu.memory_space<vmem>>, vector<1x64x256xf32>,
    %slice3A_458 = vector.extract_strided_slice %get3A_2 {offsets = [0, 27, 0], sizes = [256, 1, 128], strides = [1, 1, 1]} : vector<256x56x128xf32> to vector<256x1x128xf32>
    %squeeze3A_459 = vector.shape_cast %slice3A_458 : vector<256x1x128xf32> to vector<256x128xf32>
    %transpose3A_460 = tpu.transpose %squeeze3A_459, [1, 0] : vector<256x128xf32> -> vector<128x256xf32>
    %slice3A_461 = vector.extract_strided_slice %transpose3A_460 {offsets = [0, 0], sizes = [64, 256], strides = [1, 1]} : vector<128x256xf32> to vector<64x256xf32>
    %swap3A_462 = arith.constant 54 : index
    %swap3A_463 = arith.constant 0 : index
    %swap3A_464 = arith.constant 0 : index
    %swap3A_465 = vector.load %arg2[%swap3A_462, %swap3A_463, %swap3A_464] : memref<100x64x256xf32, #tpu.memory_space<vmem>>, vector<1x64x256xf32>
    %swap3A_466 = vector.shape_cast %swap3A_465 : vector<1x64x256xf32> to vector<64x256xf32>
    %swap3A_467 = vector.shape_cast %slice3A_461 : vector<64x256xf32> to vector<1x64x256xf32>
    tpu.vector_store %arg2[%swap3A_462, %swap3A_463, %swap3A_464], %swap3A_467 {strides = array<i32>} : memref<100x64x256xf32, #tpu.memory_space<vmem>>, vector<1x64x256xf32>,
    %slice3A_468 = vector.extract_strided_slice %transpose3A_460 {offsets = [64, 0], sizes = [64, 256], strides = [1, 1]} : vector<128x256xf32> to vector<64x256xf32>
    %swap3A_469 = arith.constant 55 : index
    %swap3A_470 = arith.constant 0 : index
    %swap3A_471 = arith.constant 0 : index
    %swap3A_472 = vector.load %arg2[%swap3A_469, %swap3A_470, %swap3A_471] : memref<100x64x256xf32, #tpu.memory_space<vmem>>, vector<1x64x256xf32>
    %swap3A_473 = vector.shape_cast %swap3A_472 : vector<1x64x256xf32> to vector<64x256xf32>
    %swap3A_474 = vector.shape_cast %slice3A_468 : vector<64x256xf32> to vector<1x64x256xf32>
    tpu.vector_store %arg2[%swap3A_469, %swap3A_470, %swap3A_471], %swap3A_474 {strides = array<i32>} : memref<100x64x256xf32, #tpu.memory_space<vmem>>, vector<1x64x256xf32>,
    %slice3A_475 = vector.extract_strided_slice %get3A_2 {offsets = [0, 28, 0], sizes = [256, 1, 128], strides = [1, 1, 1]} : vector<256x56x128xf32> to vector<256x1x128xf32>
    %squeeze3A_476 = vector.shape_cast %slice3A_475 : vector<256x1x128xf32> to vector<256x128xf32>
    %transpose3A_477 = tpu.transpose %squeeze3A_476, [1, 0] : vector<256x128xf32> -> vector<128x256xf32>
    %slice3A_478 = vector.extract_strided_slice %transpose3A_477 {offsets = [0, 0], sizes = [64, 256], strides = [1, 1]} : vector<128x256xf32> to vector<64x256xf32>
    %swap3A_479 = arith.constant 56 : index
    %swap3A_480 = arith.constant 0 : index
    %swap3A_481 = arith.constant 0 : index
    %swap3A_482 = vector.load %arg2[%swap3A_479, %swap3A_480, %swap3A_481] : memref<100x64x256xf32, #tpu.memory_space<vmem>>, vector<1x64x256xf32>
    %swap3A_483 = vector.shape_cast %swap3A_482 : vector<1x64x256xf32> to vector<64x256xf32>
    %swap3A_484 = vector.shape_cast %slice3A_478 : vector<64x256xf32> to vector<1x64x256xf32>
    tpu.vector_store %arg2[%swap3A_479, %swap3A_480, %swap3A_481], %swap3A_484 {strides = array<i32>} : memref<100x64x256xf32, #tpu.memory_space<vmem>>, vector<1x64x256xf32>,
    %slice3A_485 = vector.extract_strided_slice %transpose3A_477 {offsets = [64, 0], sizes = [64, 256], strides = [1, 1]} : vector<128x256xf32> to vector<64x256xf32>
    %swap3A_486 = arith.constant 57 : index
    %swap3A_487 = arith.constant 0 : index
    %swap3A_488 = arith.constant 0 : index
    %swap3A_489 = vector.load %arg2[%swap3A_486, %swap3A_487, %swap3A_488] : memref<100x64x256xf32, #tpu.memory_space<vmem>>, vector<1x64x256xf32>
    %swap3A_490 = vector.shape_cast %swap3A_489 : vector<1x64x256xf32> to vector<64x256xf32>
    %swap3A_491 = vector.shape_cast %slice3A_485 : vector<64x256xf32> to vector<1x64x256xf32>
    tpu.vector_store %arg2[%swap3A_486, %swap3A_487, %swap3A_488], %swap3A_491 {strides = array<i32>} : memref<100x64x256xf32, #tpu.memory_space<vmem>>, vector<1x64x256xf32>,
    %slice3A_492 = vector.extract_strided_slice %get3A_2 {offsets = [0, 29, 0], sizes = [256, 1, 128], strides = [1, 1, 1]} : vector<256x56x128xf32> to vector<256x1x128xf32>
    %squeeze3A_493 = vector.shape_cast %slice3A_492 : vector<256x1x128xf32> to vector<256x128xf32>
    %transpose3A_494 = tpu.transpose %squeeze3A_493, [1, 0] : vector<256x128xf32> -> vector<128x256xf32>
    %slice3A_495 = vector.extract_strided_slice %transpose3A_494 {offsets = [0, 0], sizes = [64, 256], strides = [1, 1]} : vector<128x256xf32> to vector<64x256xf32>
    %swap3A_496 = arith.constant 58 : index
    %swap3A_497 = arith.constant 0 : index
    %swap3A_498 = arith.constant 0 : index
    %swap3A_499 = vector.load %arg2[%swap3A_496, %swap3A_497, %swap3A_498] : memref<100x64x256xf32, #tpu.memory_space<vmem>>, vector<1x64x256xf32>
    %swap3A_500 = vector.shape_cast %swap3A_499 : vector<1x64x256xf32> to vector<64x256xf32>
    %swap3A_501 = vector.shape_cast %slice3A_495 : vector<64x256xf32> to vector<1x64x256xf32>
    tpu.vector_store %arg2[%swap3A_496, %swap3A_497, %swap3A_498], %swap3A_501 {strides = array<i32>} : memref<100x64x256xf32, #tpu.memory_space<vmem>>, vector<1x64x256xf32>,
    %slice3A_502 = vector.extract_strided_slice %transpose3A_494 {offsets = [64, 0], sizes = [64, 256], strides = [1, 1]} : vector<128x256xf32> to vector<64x256xf32>
    %swap3A_503 = arith.constant 59 : index
    %swap3A_504 = arith.constant 0 : index
    %swap3A_505 = arith.constant 0 : index
    %swap3A_506 = vector.load %arg2[%swap3A_503, %swap3A_504, %swap3A_505] : memref<100x64x256xf32, #tpu.memory_space<vmem>>, vector<1x64x256xf32>
    %swap3A_507 = vector.shape_cast %swap3A_506 : vector<1x64x256xf32> to vector<64x256xf32>
    %swap3A_508 = vector.shape_cast %slice3A_502 : vector<64x256xf32> to vector<1x64x256xf32>
    tpu.vector_store %arg2[%swap3A_503, %swap3A_504, %swap3A_505], %swap3A_508 {strides = array<i32>} : memref<100x64x256xf32, #tpu.memory_space<vmem>>, vector<1x64x256xf32>,
    %slice3A_509 = vector.extract_strided_slice %get3A_2 {offsets = [0, 30, 0], sizes = [256, 1, 128], strides = [1, 1, 1]} : vector<256x56x128xf32> to vector<256x1x128xf32>
    %squeeze3A_510 = vector.shape_cast %slice3A_509 : vector<256x1x128xf32> to vector<256x128xf32>
    %transpose3A_511 = tpu.transpose %squeeze3A_510, [1, 0] : vector<256x128xf32> -> vector<128x256xf32>
    %slice3A_512 = vector.extract_strided_slice %transpose3A_511 {offsets = [0, 0], sizes = [64, 256], strides = [1, 1]} : vector<128x256xf32> to vector<64x256xf32>
    %swap3A_513 = arith.constant 60 : index
    %swap3A_514 = arith.constant 0 : index
    %swap3A_515 = arith.constant 0 : index
    %swap3A_516 = vector.load %arg2[%swap3A_513, %swap3A_514, %swap3A_515] : memref<100x64x256xf32, #tpu.memory_space<vmem>>, vector<1x64x256xf32>
    %swap3A_517 = vector.shape_cast %swap3A_516 : vector<1x64x256xf32> to vector<64x256xf32>
    %swap3A_518 = vector.shape_cast %slice3A_512 : vector<64x256xf32> to vector<1x64x256xf32>
    tpu.vector_store %arg2[%swap3A_513, %swap3A_514, %swap3A_515], %swap3A_518 {strides = array<i32>} : memref<100x64x256xf32, #tpu.memory_space<vmem>>, vector<1x64x256xf32>,
    %slice3A_519 = vector.extract_strided_slice %transpose3A_511 {offsets = [64, 0], sizes = [64, 256], strides = [1, 1]} : vector<128x256xf32> to vector<64x256xf32>
    %swap3A_520 = arith.constant 61 : index
    %swap3A_521 = arith.constant 0 : index
    %swap3A_522 = arith.constant 0 : index
    %swap3A_523 = vector.load %arg2[%swap3A_520, %swap3A_521, %swap3A_522] : memref<100x64x256xf32, #tpu.memory_space<vmem>>, vector<1x64x256xf32>
    %swap3A_524 = vector.shape_cast %swap3A_523 : vector<1x64x256xf32> to vector<64x256xf32>
    %swap3A_525 = vector.shape_cast %slice3A_519 : vector<64x256xf32> to vector<1x64x256xf32>
    tpu.vector_store %arg2[%swap3A_520, %swap3A_521, %swap3A_522], %swap3A_525 {strides = array<i32>} : memref<100x64x256xf32, #tpu.memory_space<vmem>>, vector<1x64x256xf32>,
    %slice3A_526 = vector.extract_strided_slice %get3A_2 {offsets = [0, 31, 0], sizes = [256, 1, 128], strides = [1, 1, 1]} : vector<256x56x128xf32> to vector<256x1x128xf32>
    %squeeze3A_527 = vector.shape_cast %slice3A_526 : vector<256x1x128xf32> to vector<256x128xf32>
    %transpose3A_528 = tpu.transpose %squeeze3A_527, [1, 0] : vector<256x128xf32> -> vector<128x256xf32>
    %slice3A_529 = vector.extract_strided_slice %transpose3A_528 {offsets = [0, 0], sizes = [64, 256], strides = [1, 1]} : vector<128x256xf32> to vector<64x256xf32>
    %swap3A_530 = arith.constant 62 : index
    %swap3A_531 = arith.constant 0 : index
    %swap3A_532 = arith.constant 0 : index
    %swap3A_533 = vector.load %arg2[%swap3A_530, %swap3A_531, %swap3A_532] : memref<100x64x256xf32, #tpu.memory_space<vmem>>, vector<1x64x256xf32>
    %swap3A_534 = vector.shape_cast %swap3A_533 : vector<1x64x256xf32> to vector<64x256xf32>
    %swap3A_535 = vector.shape_cast %slice3A_529 : vector<64x256xf32> to vector<1x64x256xf32>
    tpu.vector_store %arg2[%swap3A_530, %swap3A_531, %swap3A_532], %swap3A_535 {strides = array<i32>} : memref<100x64x256xf32, #tpu.memory_space<vmem>>, vector<1x64x256xf32>,
    %slice3A_536 = vector.extract_strided_slice %transpose3A_528 {offsets = [64, 0], sizes = [64, 256], strides = [1, 1]} : vector<128x256xf32> to vector<64x256xf32>
    %swap3A_537 = arith.constant 63 : index
    %swap3A_538 = arith.constant 0 : index
    %swap3A_539 = arith.constant 0 : index
    %swap3A_540 = vector.load %arg2[%swap3A_537, %swap3A_538, %swap3A_539] : memref<100x64x256xf32, #tpu.memory_space<vmem>>, vector<1x64x256xf32>
    %swap3A_541 = vector.shape_cast %swap3A_540 : vector<1x64x256xf32> to vector<64x256xf32>
    %swap3A_542 = vector.shape_cast %slice3A_536 : vector<64x256xf32> to vector<1x64x256xf32>
    tpu.vector_store %arg2[%swap3A_537, %swap3A_538, %swap3A_539], %swap3A_542 {strides = array<i32>} : memref<100x64x256xf32, #tpu.memory_space<vmem>>, vector<1x64x256xf32>,
    %slice3A_543 = vector.extract_strided_slice %get3A_2 {offsets = [0, 32, 0], sizes = [256, 1, 128], strides = [1, 1, 1]} : vector<256x56x128xf32> to vector<256x1x128xf32>
    %squeeze3A_544 = vector.shape_cast %slice3A_543 : vector<256x1x128xf32> to vector<256x128xf32>
    %transpose3A_545 = tpu.transpose %squeeze3A_544, [1, 0] : vector<256x128xf32> -> vector<128x256xf32>
    %slice3A_546 = vector.extract_strided_slice %transpose3A_545 {offsets = [0, 0], sizes = [64, 256], strides = [1, 1]} : vector<128x256xf32> to vector<64x256xf32>
    %swap3A_547 = arith.constant 64 : index
    %swap3A_548 = arith.constant 0 : index
    %swap3A_549 = arith.constant 0 : index
    %swap3A_550 = vector.load %arg2[%swap3A_547, %swap3A_548, %swap3A_549] : memref<100x64x256xf32, #tpu.memory_space<vmem>>, vector<1x64x256xf32>
    %swap3A_551 = vector.shape_cast %swap3A_550 : vector<1x64x256xf32> to vector<64x256xf32>
    %swap3A_552 = vector.shape_cast %slice3A_546 : vector<64x256xf32> to vector<1x64x256xf32>
    tpu.vector_store %arg2[%swap3A_547, %swap3A_548, %swap3A_549], %swap3A_552 {strides = array<i32>} : memref<100x64x256xf32, #tpu.memory_space<vmem>>, vector<1x64x256xf32>,
    %slice3A_553 = vector.extract_strided_slice %transpose3A_545 {offsets = [64, 0], sizes = [64, 256], strides = [1, 1]} : vector<128x256xf32> to vector<64x256xf32>
    %swap3A_554 = arith.constant 65 : index
    %swap3A_555 = arith.constant 0 : index
    %swap3A_556 = arith.constant 0 : index
    %swap3A_557 = vector.load %arg2[%swap3A_554, %swap3A_555, %swap3A_556] : memref<100x64x256xf32, #tpu.memory_space<vmem>>, vector<1x64x256xf32>
    %swap3A_558 = vector.shape_cast %swap3A_557 : vector<1x64x256xf32> to vector<64x256xf32>
    %swap3A_559 = vector.shape_cast %slice3A_553 : vector<64x256xf32> to vector<1x64x256xf32>
    tpu.vector_store %arg2[%swap3A_554, %swap3A_555, %swap3A_556], %swap3A_559 {strides = array<i32>} : memref<100x64x256xf32, #tpu.memory_space<vmem>>, vector<1x64x256xf32>,
    %slice3A_560 = vector.extract_strided_slice %get3A_2 {offsets = [0, 33, 0], sizes = [256, 1, 128], strides = [1, 1, 1]} : vector<256x56x128xf32> to vector<256x1x128xf32>
    %squeeze3A_561 = vector.shape_cast %slice3A_560 : vector<256x1x128xf32> to vector<256x128xf32>
    %transpose3A_562 = tpu.transpose %squeeze3A_561, [1, 0] : vector<256x128xf32> -> vector<128x256xf32>
    %slice3A_563 = vector.extract_strided_slice %transpose3A_562 {offsets = [0, 0], sizes = [64, 256], strides = [1, 1]} : vector<128x256xf32> to vector<64x256xf32>
    %swap3A_564 = arith.constant 66 : index
    %swap3A_565 = arith.constant 0 : index
    %swap3A_566 = arith.constant 0 : index
    %swap3A_567 = vector.load %arg2[%swap3A_564, %swap3A_565, %swap3A_566] : memref<100x64x256xf32, #tpu.memory_space<vmem>>, vector<1x64x256xf32>
    %swap3A_568 = vector.shape_cast %swap3A_567 : vector<1x64x256xf32> to vector<64x256xf32>
    %swap3A_569 = vector.shape_cast %slice3A_563 : vector<64x256xf32> to vector<1x64x256xf32>
    tpu.vector_store %arg2[%swap3A_564, %swap3A_565, %swap3A_566], %swap3A_569 {strides = array<i32>} : memref<100x64x256xf32, #tpu.memory_space<vmem>>, vector<1x64x256xf32>,
    %slice3A_570 = vector.extract_strided_slice %transpose3A_562 {offsets = [64, 0], sizes = [64, 256], strides = [1, 1]} : vector<128x256xf32> to vector<64x256xf32>
    %swap3A_571 = arith.constant 67 : index
    %swap3A_572 = arith.constant 0 : index
    %swap3A_573 = arith.constant 0 : index
    %swap3A_574 = vector.load %arg2[%swap3A_571, %swap3A_572, %swap3A_573] : memref<100x64x256xf32, #tpu.memory_space<vmem>>, vector<1x64x256xf32>
    %swap3A_575 = vector.shape_cast %swap3A_574 : vector<1x64x256xf32> to vector<64x256xf32>
    %swap3A_576 = vector.shape_cast %slice3A_570 : vector<64x256xf32> to vector<1x64x256xf32>
    tpu.vector_store %arg2[%swap3A_571, %swap3A_572, %swap3A_573], %swap3A_576 {strides = array<i32>} : memref<100x64x256xf32, #tpu.memory_space<vmem>>, vector<1x64x256xf32>,
    %slice3A_577 = vector.extract_strided_slice %get3A_2 {offsets = [0, 34, 0], sizes = [256, 1, 128], strides = [1, 1, 1]} : vector<256x56x128xf32> to vector<256x1x128xf32>
    %squeeze3A_578 = vector.shape_cast %slice3A_577 : vector<256x1x128xf32> to vector<256x128xf32>
    %transpose3A_579 = tpu.transpose %squeeze3A_578, [1, 0] : vector<256x128xf32> -> vector<128x256xf32>
    %slice3A_580 = vector.extract_strided_slice %transpose3A_579 {offsets = [0, 0], sizes = [64, 256], strides = [1, 1]} : vector<128x256xf32> to vector<64x256xf32>
    %swap3A_581 = arith.constant 68 : index
    %swap3A_582 = arith.constant 0 : index
    %swap3A_583 = arith.constant 0 : index
    %swap3A_584 = vector.load %arg2[%swap3A_581, %swap3A_582, %swap3A_583] : memref<100x64x256xf32, #tpu.memory_space<vmem>>, vector<1x64x256xf32>
    %swap3A_585 = vector.shape_cast %swap3A_584 : vector<1x64x256xf32> to vector<64x256xf32>
    %swap3A_586 = vector.shape_cast %slice3A_580 : vector<64x256xf32> to vector<1x64x256xf32>
    tpu.vector_store %arg2[%swap3A_581, %swap3A_582, %swap3A_583], %swap3A_586 {strides = array<i32>} : memref<100x64x256xf32, #tpu.memory_space<vmem>>, vector<1x64x256xf32>,
    %slice3A_587 = vector.extract_strided_slice %transpose3A_579 {offsets = [64, 0], sizes = [64, 256], strides = [1, 1]} : vector<128x256xf32> to vector<64x256xf32>
    %swap3A_588 = arith.constant 69 : index
    %swap3A_589 = arith.constant 0 : index
    %swap3A_590 = arith.constant 0 : index
    %swap3A_591 = vector.load %arg2[%swap3A_588, %swap3A_589, %swap3A_590] : memref<100x64x256xf32, #tpu.memory_space<vmem>>, vector<1x64x256xf32>
    %swap3A_592 = vector.shape_cast %swap3A_591 : vector<1x64x256xf32> to vector<64x256xf32>
    %swap3A_593 = vector.shape_cast %slice3A_587 : vector<64x256xf32> to vector<1x64x256xf32>
    tpu.vector_store %arg2[%swap3A_588, %swap3A_589, %swap3A_590], %swap3A_593 {strides = array<i32>} : memref<100x64x256xf32, #tpu.memory_space<vmem>>, vector<1x64x256xf32>,
    %slice3A_594 = vector.extract_strided_slice %get3A_2 {offsets = [0, 35, 0], sizes = [256, 1, 128], strides = [1, 1, 1]} : vector<256x56x128xf32> to vector<256x1x128xf32>
    %squeeze3A_595 = vector.shape_cast %slice3A_594 : vector<256x1x128xf32> to vector<256x128xf32>
    %transpose3A_596 = tpu.transpose %squeeze3A_595, [1, 0] : vector<256x128xf32> -> vector<128x256xf32>
    %slice3A_597 = vector.extract_strided_slice %transpose3A_596 {offsets = [0, 0], sizes = [64, 256], strides = [1, 1]} : vector<128x256xf32> to vector<64x256xf32>
    %swap3A_598 = arith.constant 70 : index
    %swap3A_599 = arith.constant 0 : index
    %swap3A_600 = arith.constant 0 : index
    %swap3A_601 = vector.load %arg2[%swap3A_598, %swap3A_599, %swap3A_600] : memref<100x64x256xf32, #tpu.memory_space<vmem>>, vector<1x64x256xf32>
    %swap3A_602 = vector.shape_cast %swap3A_601 : vector<1x64x256xf32> to vector<64x256xf32>
    %swap3A_603 = vector.shape_cast %slice3A_597 : vector<64x256xf32> to vector<1x64x256xf32>
    tpu.vector_store %arg2[%swap3A_598, %swap3A_599, %swap3A_600], %swap3A_603 {strides = array<i32>} : memref<100x64x256xf32, #tpu.memory_space<vmem>>, vector<1x64x256xf32>,
    %slice3A_604 = vector.extract_strided_slice %transpose3A_596 {offsets = [64, 0], sizes = [64, 256], strides = [1, 1]} : vector<128x256xf32> to vector<64x256xf32>
    %swap3A_605 = arith.constant 71 : index
    %swap3A_606 = arith.constant 0 : index
    %swap3A_607 = arith.constant 0 : index
    %swap3A_608 = vector.load %arg2[%swap3A_605, %swap3A_606, %swap3A_607] : memref<100x64x256xf32, #tpu.memory_space<vmem>>, vector<1x64x256xf32>
    %swap3A_609 = vector.shape_cast %swap3A_608 : vector<1x64x256xf32> to vector<64x256xf32>
    %swap3A_610 = vector.shape_cast %slice3A_604 : vector<64x256xf32> to vector<1x64x256xf32>
    tpu.vector_store %arg2[%swap3A_605, %swap3A_606, %swap3A_607], %swap3A_610 {strides = array<i32>} : memref<100x64x256xf32, #tpu.memory_space<vmem>>, vector<1x64x256xf32>,
    %slice3A_611 = vector.extract_strided_slice %get3A_2 {offsets = [0, 36, 0], sizes = [256, 1, 128], strides = [1, 1, 1]} : vector<256x56x128xf32> to vector<256x1x128xf32>
    %squeeze3A_612 = vector.shape_cast %slice3A_611 : vector<256x1x128xf32> to vector<256x128xf32>
    %transpose3A_613 = tpu.transpose %squeeze3A_612, [1, 0] : vector<256x128xf32> -> vector<128x256xf32>
    %slice3A_614 = vector.extract_strided_slice %transpose3A_613 {offsets = [0, 0], sizes = [64, 256], strides = [1, 1]} : vector<128x256xf32> to vector<64x256xf32>
    %swap3A_615 = arith.constant 72 : index
    %swap3A_616 = arith.constant 0 : index
    %swap3A_617 = arith.constant 0 : index
    %swap3A_618 = vector.load %arg2[%swap3A_615, %swap3A_616, %swap3A_617] : memref<100x64x256xf32, #tpu.memory_space<vmem>>, vector<1x64x256xf32>
    %swap3A_619 = vector.shape_cast %swap3A_618 : vector<1x64x256xf32> to vector<64x256xf32>
    %swap3A_620 = vector.shape_cast %slice3A_614 : vector<64x256xf32> to vector<1x64x256xf32>
    tpu.vector_store %arg2[%swap3A_615, %swap3A_616, %swap3A_617], %swap3A_620 {strides = array<i32>} : memref<100x64x256xf32, #tpu.memory_space<vmem>>, vector<1x64x256xf32>,
    %slice3A_621 = vector.extract_strided_slice %transpose3A_613 {offsets = [64, 0], sizes = [64, 256], strides = [1, 1]} : vector<128x256xf32> to vector<64x256xf32>
    %swap3A_622 = arith.constant 73 : index
    %swap3A_623 = arith.constant 0 : index
    %swap3A_624 = arith.constant 0 : index
    %swap3A_625 = vector.load %arg2[%swap3A_622, %swap3A_623, %swap3A_624] : memref<100x64x256xf32, #tpu.memory_space<vmem>>, vector<1x64x256xf32>
    %swap3A_626 = vector.shape_cast %swap3A_625 : vector<1x64x256xf32> to vector<64x256xf32>
    %swap3A_627 = vector.shape_cast %slice3A_621 : vector<64x256xf32> to vector<1x64x256xf32>
    tpu.vector_store %arg2[%swap3A_622, %swap3A_623, %swap3A_624], %swap3A_627 {strides = array<i32>} : memref<100x64x256xf32, #tpu.memory_space<vmem>>, vector<1x64x256xf32>,
    %slice3A_628 = vector.extract_strided_slice %get3A_2 {offsets = [0, 37, 0], sizes = [256, 1, 128], strides = [1, 1, 1]} : vector<256x56x128xf32> to vector<256x1x128xf32>
    %squeeze3A_629 = vector.shape_cast %slice3A_628 : vector<256x1x128xf32> to vector<256x128xf32>
    %transpose3A_630 = tpu.transpose %squeeze3A_629, [1, 0] : vector<256x128xf32> -> vector<128x256xf32>
    %slice3A_631 = vector.extract_strided_slice %transpose3A_630 {offsets = [0, 0], sizes = [64, 256], strides = [1, 1]} : vector<128x256xf32> to vector<64x256xf32>
    %swap3A_632 = arith.constant 74 : index
    %swap3A_633 = arith.constant 0 : index
    %swap3A_634 = arith.constant 0 : index
    %swap3A_635 = vector.load %arg2[%swap3A_632, %swap3A_633, %swap3A_634] : memref<100x64x256xf32, #tpu.memory_space<vmem>>, vector<1x64x256xf32>
    %swap3A_636 = vector.shape_cast %swap3A_635 : vector<1x64x256xf32> to vector<64x256xf32>
    %swap3A_637 = vector.shape_cast %slice3A_631 : vector<64x256xf32> to vector<1x64x256xf32>
    tpu.vector_store %arg2[%swap3A_632, %swap3A_633, %swap3A_634], %swap3A_637 {strides = array<i32>} : memref<100x64x256xf32, #tpu.memory_space<vmem>>, vector<1x64x256xf32>,
    %slice3A_638 = vector.extract_strided_slice %transpose3A_630 {offsets = [64, 0], sizes = [64, 256], strides = [1, 1]} : vector<128x256xf32> to vector<64x256xf32>
    %swap3A_639 = arith.constant 75 : index
    %swap3A_640 = arith.constant 0 : index
    %swap3A_641 = arith.constant 0 : index
    %swap3A_642 = vector.load %arg2[%swap3A_639, %swap3A_640, %swap3A_641] : memref<100x64x256xf32, #tpu.memory_space<vmem>>, vector<1x64x256xf32>
    %swap3A_643 = vector.shape_cast %swap3A_642 : vector<1x64x256xf32> to vector<64x256xf32>
    %swap3A_644 = vector.shape_cast %slice3A_638 : vector<64x256xf32> to vector<1x64x256xf32>
    tpu.vector_store %arg2[%swap3A_639, %swap3A_640, %swap3A_641], %swap3A_644 {strides = array<i32>} : memref<100x64x256xf32, #tpu.memory_space<vmem>>, vector<1x64x256xf32>,
    %slice3A_645 = vector.extract_strided_slice %get3A_2 {offsets = [0, 38, 0], sizes = [256, 1, 128], strides = [1, 1, 1]} : vector<256x56x128xf32> to vector<256x1x128xf32>
    %squeeze3A_646 = vector.shape_cast %slice3A_645 : vector<256x1x128xf32> to vector<256x128xf32>
    %transpose3A_647 = tpu.transpose %squeeze3A_646, [1, 0] : vector<256x128xf32> -> vector<128x256xf32>
    %slice3A_648 = vector.extract_strided_slice %transpose3A_647 {offsets = [0, 0], sizes = [64, 256], strides = [1, 1]} : vector<128x256xf32> to vector<64x256xf32>
    %swap3A_649 = arith.constant 76 : index
    %swap3A_650 = arith.constant 0 : index
    %swap3A_651 = arith.constant 0 : index
    %swap3A_652 = vector.load %arg2[%swap3A_649, %swap3A_650, %swap3A_651] : memref<100x64x256xf32, #tpu.memory_space<vmem>>, vector<1x64x256xf32>
    %swap3A_653 = vector.shape_cast %swap3A_652 : vector<1x64x256xf32> to vector<64x256xf32>
    %swap3A_654 = vector.shape_cast %slice3A_648 : vector<64x256xf32> to vector<1x64x256xf32>
    tpu.vector_store %arg2[%swap3A_649, %swap3A_650, %swap3A_651], %swap3A_654 {strides = array<i32>} : memref<100x64x256xf32, #tpu.memory_space<vmem>>, vector<1x64x256xf32>,
    %slice3A_655 = vector.extract_strided_slice %transpose3A_647 {offsets = [64, 0], sizes = [64, 256], strides = [1, 1]} : vector<128x256xf32> to vector<64x256xf32>
    %swap3A_656 = arith.constant 77 : index
    %swap3A_657 = arith.constant 0 : index
    %swap3A_658 = arith.constant 0 : index
    %swap3A_659 = vector.load %arg2[%swap3A_656, %swap3A_657, %swap3A_658] : memref<100x64x256xf32, #tpu.memory_space<vmem>>, vector<1x64x256xf32>
    %swap3A_660 = vector.shape_cast %swap3A_659 : vector<1x64x256xf32> to vector<64x256xf32>
    %swap3A_661 = vector.shape_cast %slice3A_655 : vector<64x256xf32> to vector<1x64x256xf32>
    tpu.vector_store %arg2[%swap3A_656, %swap3A_657, %swap3A_658], %swap3A_661 {strides = array<i32>} : memref<100x64x256xf32, #tpu.memory_space<vmem>>, vector<1x64x256xf32>,
    %slice3A_662 = vector.extract_strided_slice %get3A_2 {offsets = [0, 39, 0], sizes = [256, 1, 128], strides = [1, 1, 1]} : vector<256x56x128xf32> to vector<256x1x128xf32>
    %squeeze3A_663 = vector.shape_cast %slice3A_662 : vector<256x1x128xf32> to vector<256x128xf32>
    %transpose3A_664 = tpu.transpose %squeeze3A_663, [1, 0] : vector<256x128xf32> -> vector<128x256xf32>
    %slice3A_665 = vector.extract_strided_slice %transpose3A_664 {offsets = [0, 0], sizes = [64, 256], strides = [1, 1]} : vector<128x256xf32> to vector<64x256xf32>
    %swap3A_666 = arith.constant 78 : index
    %swap3A_667 = arith.constant 0 : index
    %swap3A_668 = arith.constant 0 : index
    %swap3A_669 = vector.load %arg2[%swap3A_666, %swap3A_667, %swap3A_668] : memref<100x64x256xf32, #tpu.memory_space<vmem>>, vector<1x64x256xf32>
    %swap3A_670 = vector.shape_cast %swap3A_669 : vector<1x64x256xf32> to vector<64x256xf32>
    %swap3A_671 = vector.shape_cast %slice3A_665 : vector<64x256xf32> to vector<1x64x256xf32>
    tpu.vector_store %arg2[%swap3A_666, %swap3A_667, %swap3A_668], %swap3A_671 {strides = array<i32>} : memref<100x64x256xf32, #tpu.memory_space<vmem>>, vector<1x64x256xf32>,
    %slice3A_672 = vector.extract_strided_slice %transpose3A_664 {offsets = [64, 0], sizes = [64, 256], strides = [1, 1]} : vector<128x256xf32> to vector<64x256xf32>
    %swap3A_673 = arith.constant 79 : index
    %swap3A_674 = arith.constant 0 : index
    %swap3A_675 = arith.constant 0 : index
    %swap3A_676 = vector.load %arg2[%swap3A_673, %swap3A_674, %swap3A_675] : memref<100x64x256xf32, #tpu.memory_space<vmem>>, vector<1x64x256xf32>
    %swap3A_677 = vector.shape_cast %swap3A_676 : vector<1x64x256xf32> to vector<64x256xf32>
    %swap3A_678 = vector.shape_cast %slice3A_672 : vector<64x256xf32> to vector<1x64x256xf32>
    tpu.vector_store %arg2[%swap3A_673, %swap3A_674, %swap3A_675], %swap3A_678 {strides = array<i32>} : memref<100x64x256xf32, #tpu.memory_space<vmem>>, vector<1x64x256xf32>,
    %slice3A_679 = vector.extract_strided_slice %get3A_2 {offsets = [0, 40, 0], sizes = [256, 1, 128], strides = [1, 1, 1]} : vector<256x56x128xf32> to vector<256x1x128xf32>
    %squeeze3A_680 = vector.shape_cast %slice3A_679 : vector<256x1x128xf32> to vector<256x128xf32>
    %transpose3A_681 = tpu.transpose %squeeze3A_680, [1, 0] : vector<256x128xf32> -> vector<128x256xf32>
    %slice3A_682 = vector.extract_strided_slice %transpose3A_681 {offsets = [0, 0], sizes = [64, 256], strides = [1, 1]} : vector<128x256xf32> to vector<64x256xf32>
    %swap3A_683 = arith.constant 80 : index
    %swap3A_684 = arith.constant 0 : index
    %swap3A_685 = arith.constant 0 : index
    %swap3A_686 = vector.load %arg2[%swap3A_683, %swap3A_684, %swap3A_685] : memref<100x64x256xf32, #tpu.memory_space<vmem>>, vector<1x64x256xf32>
    %swap3A_687 = vector.shape_cast %swap3A_686 : vector<1x64x256xf32> to vector<64x256xf32>
    %swap3A_688 = vector.shape_cast %slice3A_682 : vector<64x256xf32> to vector<1x64x256xf32>
    tpu.vector_store %arg2[%swap3A_683, %swap3A_684, %swap3A_685], %swap3A_688 {strides = array<i32>} : memref<100x64x256xf32, #tpu.memory_space<vmem>>, vector<1x64x256xf32>,
    %slice3A_689 = vector.extract_strided_slice %transpose3A_681 {offsets = [64, 0], sizes = [64, 256], strides = [1, 1]} : vector<128x256xf32> to vector<64x256xf32>
    %swap3A_690 = arith.constant 81 : index
    %swap3A_691 = arith.constant 0 : index
    %swap3A_692 = arith.constant 0 : index
    %swap3A_693 = vector.load %arg2[%swap3A_690, %swap3A_691, %swap3A_692] : memref<100x64x256xf32, #tpu.memory_space<vmem>>, vector<1x64x256xf32>
    %swap3A_694 = vector.shape_cast %swap3A_693 : vector<1x64x256xf32> to vector<64x256xf32>
    %swap3A_695 = vector.shape_cast %slice3A_689 : vector<64x256xf32> to vector<1x64x256xf32>
    tpu.vector_store %arg2[%swap3A_690, %swap3A_691, %swap3A_692], %swap3A_695 {strides = array<i32>} : memref<100x64x256xf32, #tpu.memory_space<vmem>>, vector<1x64x256xf32>,
    %slice3A_696 = vector.extract_strided_slice %get3A_2 {offsets = [0, 41, 0], sizes = [256, 1, 128], strides = [1, 1, 1]} : vector<256x56x128xf32> to vector<256x1x128xf32>
    %squeeze3A_697 = vector.shape_cast %slice3A_696 : vector<256x1x128xf32> to vector<256x128xf32>
    %transpose3A_698 = tpu.transpose %squeeze3A_697, [1, 0] : vector<256x128xf32> -> vector<128x256xf32>
    %slice3A_699 = vector.extract_strided_slice %transpose3A_698 {offsets = [0, 0], sizes = [64, 256], strides = [1, 1]} : vector<128x256xf32> to vector<64x256xf32>
    %swap3A_700 = arith.constant 82 : index
    %swap3A_701 = arith.constant 0 : index
    %swap3A_702 = arith.constant 0 : index
    %swap3A_703 = vector.load %arg2[%swap3A_700, %swap3A_701, %swap3A_702] : memref<100x64x256xf32, #tpu.memory_space<vmem>>, vector<1x64x256xf32>
    %swap3A_704 = vector.shape_cast %swap3A_703 : vector<1x64x256xf32> to vector<64x256xf32>
    %swap3A_705 = vector.shape_cast %slice3A_699 : vector<64x256xf32> to vector<1x64x256xf32>
    tpu.vector_store %arg2[%swap3A_700, %swap3A_701, %swap3A_702], %swap3A_705 {strides = array<i32>} : memref<100x64x256xf32, #tpu.memory_space<vmem>>, vector<1x64x256xf32>,
    %slice3A_706 = vector.extract_strided_slice %transpose3A_698 {offsets = [64, 0], sizes = [64, 256], strides = [1, 1]} : vector<128x256xf32> to vector<64x256xf32>
    %swap3A_707 = arith.constant 83 : index
    %swap3A_708 = arith.constant 0 : index
    %swap3A_709 = arith.constant 0 : index
    %swap3A_710 = vector.load %arg2[%swap3A_707, %swap3A_708, %swap3A_709] : memref<100x64x256xf32, #tpu.memory_space<vmem>>, vector<1x64x256xf32>
    %swap3A_711 = vector.shape_cast %swap3A_710 : vector<1x64x256xf32> to vector<64x256xf32>
    %swap3A_712 = vector.shape_cast %slice3A_706 : vector<64x256xf32> to vector<1x64x256xf32>
    tpu.vector_store %arg2[%swap3A_707, %swap3A_708, %swap3A_709], %swap3A_712 {strides = array<i32>} : memref<100x64x256xf32, #tpu.memory_space<vmem>>, vector<1x64x256xf32>,
    %slice3A_713 = vector.extract_strided_slice %get3A_2 {offsets = [0, 42, 0], sizes = [256, 1, 128], strides = [1, 1, 1]} : vector<256x56x128xf32> to vector<256x1x128xf32>
    %squeeze3A_714 = vector.shape_cast %slice3A_713 : vector<256x1x128xf32> to vector<256x128xf32>
    %transpose3A_715 = tpu.transpose %squeeze3A_714, [1, 0] : vector<256x128xf32> -> vector<128x256xf32>
    %slice3A_716 = vector.extract_strided_slice %transpose3A_715 {offsets = [0, 0], sizes = [64, 256], strides = [1, 1]} : vector<128x256xf32> to vector<64x256xf32>
    %swap3A_717 = arith.constant 84 : index
    %swap3A_718 = arith.constant 0 : index
    %swap3A_719 = arith.constant 0 : index
    %swap3A_720 = vector.load %arg2[%swap3A_717, %swap3A_718, %swap3A_719] : memref<100x64x256xf32, #tpu.memory_space<vmem>>, vector<1x64x256xf32>
    %swap3A_721 = vector.shape_cast %swap3A_720 : vector<1x64x256xf32> to vector<64x256xf32>
    %swap3A_722 = vector.shape_cast %slice3A_716 : vector<64x256xf32> to vector<1x64x256xf32>
    tpu.vector_store %arg2[%swap3A_717, %swap3A_718, %swap3A_719], %swap3A_722 {strides = array<i32>} : memref<100x64x256xf32, #tpu.memory_space<vmem>>, vector<1x64x256xf32>,
    %slice3A_723 = vector.extract_strided_slice %transpose3A_715 {offsets = [64, 0], sizes = [64, 256], strides = [1, 1]} : vector<128x256xf32> to vector<64x256xf32>
    %swap3A_724 = arith.constant 85 : index
    %swap3A_725 = arith.constant 0 : index
    %swap3A_726 = arith.constant 0 : index
    %swap3A_727 = vector.load %arg2[%swap3A_724, %swap3A_725, %swap3A_726] : memref<100x64x256xf32, #tpu.memory_space<vmem>>, vector<1x64x256xf32>
    %swap3A_728 = vector.shape_cast %swap3A_727 : vector<1x64x256xf32> to vector<64x256xf32>
    %swap3A_729 = vector.shape_cast %slice3A_723 : vector<64x256xf32> to vector<1x64x256xf32>
    tpu.vector_store %arg2[%swap3A_724, %swap3A_725, %swap3A_726], %swap3A_729 {strides = array<i32>} : memref<100x64x256xf32, #tpu.memory_space<vmem>>, vector<1x64x256xf32>,
    %slice3A_730 = vector.extract_strided_slice %get3A_2 {offsets = [0, 43, 0], sizes = [256, 1, 128], strides = [1, 1, 1]} : vector<256x56x128xf32> to vector<256x1x128xf32>
    %squeeze3A_731 = vector.shape_cast %slice3A_730 : vector<256x1x128xf32> to vector<256x128xf32>
    %transpose3A_732 = tpu.transpose %squeeze3A_731, [1, 0] : vector<256x128xf32> -> vector<128x256xf32>
    %slice3A_733 = vector.extract_strided_slice %transpose3A_732 {offsets = [0, 0], sizes = [64, 256], strides = [1, 1]} : vector<128x256xf32> to vector<64x256xf32>
    %swap3A_734 = arith.constant 86 : index
    %swap3A_735 = arith.constant 0 : index
    %swap3A_736 = arith.constant 0 : index
    %swap3A_737 = vector.load %arg2[%swap3A_734, %swap3A_735, %swap3A_736] : memref<100x64x256xf32, #tpu.memory_space<vmem>>, vector<1x64x256xf32>
    %swap3A_738 = vector.shape_cast %swap3A_737 : vector<1x64x256xf32> to vector<64x256xf32>
    %swap3A_739 = vector.shape_cast %slice3A_733 : vector<64x256xf32> to vector<1x64x256xf32>
    tpu.vector_store %arg2[%swap3A_734, %swap3A_735, %swap3A_736], %swap3A_739 {strides = array<i32>} : memref<100x64x256xf32, #tpu.memory_space<vmem>>, vector<1x64x256xf32>,
    %slice3A_740 = vector.extract_strided_slice %transpose3A_732 {offsets = [64, 0], sizes = [64, 256], strides = [1, 1]} : vector<128x256xf32> to vector<64x256xf32>
    %swap3A_741 = arith.constant 87 : index
    %swap3A_742 = arith.constant 0 : index
    %swap3A_743 = arith.constant 0 : index
    %swap3A_744 = vector.load %arg2[%swap3A_741, %swap3A_742, %swap3A_743] : memref<100x64x256xf32, #tpu.memory_space<vmem>>, vector<1x64x256xf32>
    %swap3A_745 = vector.shape_cast %swap3A_744 : vector<1x64x256xf32> to vector<64x256xf32>
    %swap3A_746 = vector.shape_cast %slice3A_740 : vector<64x256xf32> to vector<1x64x256xf32>
    tpu.vector_store %arg2[%swap3A_741, %swap3A_742, %swap3A_743], %swap3A_746 {strides = array<i32>} : memref<100x64x256xf32, #tpu.memory_space<vmem>>, vector<1x64x256xf32>,
    %slice3A_747 = vector.extract_strided_slice %get3A_2 {offsets = [0, 44, 0], sizes = [256, 1, 128], strides = [1, 1, 1]} : vector<256x56x128xf32> to vector<256x1x128xf32>
    %squeeze3A_748 = vector.shape_cast %slice3A_747 : vector<256x1x128xf32> to vector<256x128xf32>
    %transpose3A_749 = tpu.transpose %squeeze3A_748, [1, 0] : vector<256x128xf32> -> vector<128x256xf32>
    %slice3A_750 = vector.extract_strided_slice %transpose3A_749 {offsets = [0, 0], sizes = [64, 256], strides = [1, 1]} : vector<128x256xf32> to vector<64x256xf32>
    %swap3A_751 = arith.constant 88 : index
    %swap3A_752 = arith.constant 0 : index
    %swap3A_753 = arith.constant 0 : index
    %swap3A_754 = vector.load %arg2[%swap3A_751, %swap3A_752, %swap3A_753] : memref<100x64x256xf32, #tpu.memory_space<vmem>>, vector<1x64x256xf32>
    %swap3A_755 = vector.shape_cast %swap3A_754 : vector<1x64x256xf32> to vector<64x256xf32>
    %swap3A_756 = vector.shape_cast %slice3A_750 : vector<64x256xf32> to vector<1x64x256xf32>
    tpu.vector_store %arg2[%swap3A_751, %swap3A_752, %swap3A_753], %swap3A_756 {strides = array<i32>} : memref<100x64x256xf32, #tpu.memory_space<vmem>>, vector<1x64x256xf32>,
    %slice3A_757 = vector.extract_strided_slice %transpose3A_749 {offsets = [64, 0], sizes = [64, 256], strides = [1, 1]} : vector<128x256xf32> to vector<64x256xf32>
    %swap3A_758 = arith.constant 89 : index
    %swap3A_759 = arith.constant 0 : index
    %swap3A_760 = arith.constant 0 : index
    %swap3A_761 = vector.load %arg2[%swap3A_758, %swap3A_759, %swap3A_760] : memref<100x64x256xf32, #tpu.memory_space<vmem>>, vector<1x64x256xf32>
    %swap3A_762 = vector.shape_cast %swap3A_761 : vector<1x64x256xf32> to vector<64x256xf32>
    %swap3A_763 = vector.shape_cast %slice3A_757 : vector<64x256xf32> to vector<1x64x256xf32>
    tpu.vector_store %arg2[%swap3A_758, %swap3A_759, %swap3A_760], %swap3A_763 {strides = array<i32>} : memref<100x64x256xf32, #tpu.memory_space<vmem>>, vector<1x64x256xf32>,
    %slice3A_764 = vector.extract_strided_slice %get3A_2 {offsets = [0, 45, 0], sizes = [256, 1, 128], strides = [1, 1, 1]} : vector<256x56x128xf32> to vector<256x1x128xf32>
    %squeeze3A_765 = vector.shape_cast %slice3A_764 : vector<256x1x128xf32> to vector<256x128xf32>
    %transpose3A_766 = tpu.transpose %squeeze3A_765, [1, 0] : vector<256x128xf32> -> vector<128x256xf32>
    %slice3A_767 = vector.extract_strided_slice %transpose3A_766 {offsets = [0, 0], sizes = [64, 256], strides = [1, 1]} : vector<128x256xf32> to vector<64x256xf32>
    %swap3A_768 = arith.constant 90 : index
    %swap3A_769 = arith.constant 0 : index
    %swap3A_770 = arith.constant 0 : index
    %swap3A_771 = vector.load %arg2[%swap3A_768, %swap3A_769, %swap3A_770] : memref<100x64x256xf32, #tpu.memory_space<vmem>>, vector<1x64x256xf32>
    %swap3A_772 = vector.shape_cast %swap3A_771 : vector<1x64x256xf32> to vector<64x256xf32>
    %swap3A_773 = vector.shape_cast %slice3A_767 : vector<64x256xf32> to vector<1x64x256xf32>
    tpu.vector_store %arg2[%swap3A_768, %swap3A_769, %swap3A_770], %swap3A_773 {strides = array<i32>} : memref<100x64x256xf32, #tpu.memory_space<vmem>>, vector<1x64x256xf32>,
    %slice3A_774 = vector.extract_strided_slice %transpose3A_766 {offsets = [64, 0], sizes = [64, 256], strides = [1, 1]} : vector<128x256xf32> to vector<64x256xf32>
    %swap3A_775 = arith.constant 91 : index
    %swap3A_776 = arith.constant 0 : index
    %swap3A_777 = arith.constant 0 : index
    %swap3A_778 = vector.load %arg2[%swap3A_775, %swap3A_776, %swap3A_777] : memref<100x64x256xf32, #tpu.memory_space<vmem>>, vector<1x64x256xf32>
    %swap3A_779 = vector.shape_cast %swap3A_778 : vector<1x64x256xf32> to vector<64x256xf32>
    %swap3A_780 = vector.shape_cast %slice3A_774 : vector<64x256xf32> to vector<1x64x256xf32>
    tpu.vector_store %arg2[%swap3A_775, %swap3A_776, %swap3A_777], %swap3A_780 {strides = array<i32>} : memref<100x64x256xf32, #tpu.memory_space<vmem>>, vector<1x64x256xf32>,
    %slice3A_781 = vector.extract_strided_slice %get3A_2 {offsets = [0, 46, 0], sizes = [256, 1, 128], strides = [1, 1, 1]} : vector<256x56x128xf32> to vector<256x1x128xf32>
    %squeeze3A_782 = vector.shape_cast %slice3A_781 : vector<256x1x128xf32> to vector<256x128xf32>
    %transpose3A_783 = tpu.transpose %squeeze3A_782, [1, 0] : vector<256x128xf32> -> vector<128x256xf32>
    %slice3A_784 = vector.extract_strided_slice %transpose3A_783 {offsets = [0, 0], sizes = [64, 256], strides = [1, 1]} : vector<128x256xf32> to vector<64x256xf32>
    %swap3A_785 = arith.constant 92 : index
    %swap3A_786 = arith.constant 0 : index
    %swap3A_787 = arith.constant 0 : index
    %swap3A_788 = vector.load %arg2[%swap3A_785, %swap3A_786, %swap3A_787] : memref<100x64x256xf32, #tpu.memory_space<vmem>>, vector<1x64x256xf32>
    %swap3A_789 = vector.shape_cast %swap3A_788 : vector<1x64x256xf32> to vector<64x256xf32>
    %swap3A_790 = vector.shape_cast %slice3A_784 : vector<64x256xf32> to vector<1x64x256xf32>
    tpu.vector_store %arg2[%swap3A_785, %swap3A_786, %swap3A_787], %swap3A_790 {strides = array<i32>} : memref<100x64x256xf32, #tpu.memory_space<vmem>>, vector<1x64x256xf32>,
    %slice3A_791 = vector.extract_strided_slice %transpose3A_783 {offsets = [64, 0], sizes = [64, 256], strides = [1, 1]} : vector<128x256xf32> to vector<64x256xf32>
    %swap3A_792 = arith.constant 93 : index
    %swap3A_793 = arith.constant 0 : index
    %swap3A_794 = arith.constant 0 : index
    %swap3A_795 = vector.load %arg2[%swap3A_792, %swap3A_793, %swap3A_794] : memref<100x64x256xf32, #tpu.memory_space<vmem>>, vector<1x64x256xf32>
    %swap3A_796 = vector.shape_cast %swap3A_795 : vector<1x64x256xf32> to vector<64x256xf32>
    %swap3A_797 = vector.shape_cast %slice3A_791 : vector<64x256xf32> to vector<1x64x256xf32>
    tpu.vector_store %arg2[%swap3A_792, %swap3A_793, %swap3A_794], %swap3A_797 {strides = array<i32>} : memref<100x64x256xf32, #tpu.memory_space<vmem>>, vector<1x64x256xf32>,
    %slice3A_798 = vector.extract_strided_slice %get3A_2 {offsets = [0, 47, 0], sizes = [256, 1, 128], strides = [1, 1, 1]} : vector<256x56x128xf32> to vector<256x1x128xf32>
    %squeeze3A_799 = vector.shape_cast %slice3A_798 : vector<256x1x128xf32> to vector<256x128xf32>
    %transpose3A_800 = tpu.transpose %squeeze3A_799, [1, 0] : vector<256x128xf32> -> vector<128x256xf32>
    %slice3A_801 = vector.extract_strided_slice %transpose3A_800 {offsets = [0, 0], sizes = [64, 256], strides = [1, 1]} : vector<128x256xf32> to vector<64x256xf32>
    %swap3A_802 = arith.constant 94 : index
    %swap3A_803 = arith.constant 0 : index
    %swap3A_804 = arith.constant 0 : index
    %swap3A_805 = vector.load %arg2[%swap3A_802, %swap3A_803, %swap3A_804] : memref<100x64x256xf32, #tpu.memory_space<vmem>>, vector<1x64x256xf32>
    %swap3A_806 = vector.shape_cast %swap3A_805 : vector<1x64x256xf32> to vector<64x256xf32>
    %swap3A_807 = vector.shape_cast %slice3A_801 : vector<64x256xf32> to vector<1x64x256xf32>
    tpu.vector_store %arg2[%swap3A_802, %swap3A_803, %swap3A_804], %swap3A_807 {strides = array<i32>} : memref<100x64x256xf32, #tpu.memory_space<vmem>>, vector<1x64x256xf32>,
    %slice3A_808 = vector.extract_strided_slice %transpose3A_800 {offsets = [64, 0], sizes = [64, 256], strides = [1, 1]} : vector<128x256xf32> to vector<64x256xf32>
    %swap3A_809 = arith.constant 95 : index
    %swap3A_810 = arith.constant 0 : index
    %swap3A_811 = arith.constant 0 : index
    %swap3A_812 = vector.load %arg2[%swap3A_809, %swap3A_810, %swap3A_811] : memref<100x64x256xf32, #tpu.memory_space<vmem>>, vector<1x64x256xf32>
    %swap3A_813 = vector.shape_cast %swap3A_812 : vector<1x64x256xf32> to vector<64x256xf32>
    %swap3A_814 = vector.shape_cast %slice3A_808 : vector<64x256xf32> to vector<1x64x256xf32>
    tpu.vector_store %arg2[%swap3A_809, %swap3A_810, %swap3A_811], %swap3A_814 {strides = array<i32>} : memref<100x64x256xf32, #tpu.memory_space<vmem>>, vector<1x64x256xf32>,
    %slice3A_815 = vector.extract_strided_slice %get3A_2 {offsets = [0, 48, 0], sizes = [256, 1, 128], strides = [1, 1, 1]} : vector<256x56x128xf32> to vector<256x1x128xf32>
    %squeeze3A_816 = vector.shape_cast %slice3A_815 : vector<256x1x128xf32> to vector<256x128xf32>
    %transpose3A_817 = tpu.transpose %squeeze3A_816, [1, 0] : vector<256x128xf32> -> vector<128x256xf32>
    %slice3A_818 = vector.extract_strided_slice %transpose3A_817 {offsets = [0, 0], sizes = [64, 256], strides = [1, 1]} : vector<128x256xf32> to vector<64x256xf32>
    %swap3A_819 = arith.constant 96 : index
    %swap3A_820 = arith.constant 0 : index
    %swap3A_821 = arith.constant 0 : index
    %swap3A_822 = vector.load %arg2[%swap3A_819, %swap3A_820, %swap3A_821] : memref<100x64x256xf32, #tpu.memory_space<vmem>>, vector<1x64x256xf32>
    %swap3A_823 = vector.shape_cast %swap3A_822 : vector<1x64x256xf32> to vector<64x256xf32>
    %swap3A_824 = vector.shape_cast %slice3A_818 : vector<64x256xf32> to vector<1x64x256xf32>
    tpu.vector_store %arg2[%swap3A_819, %swap3A_820, %swap3A_821], %swap3A_824 {strides = array<i32>} : memref<100x64x256xf32, #tpu.memory_space<vmem>>, vector<1x64x256xf32>,
    %slice3A_825 = vector.extract_strided_slice %transpose3A_817 {offsets = [64, 0], sizes = [64, 256], strides = [1, 1]} : vector<128x256xf32> to vector<64x256xf32>
    %swap3A_826 = arith.constant 97 : index
    %swap3A_827 = arith.constant 0 : index
    %swap3A_828 = arith.constant 0 : index
    %swap3A_829 = vector.load %arg2[%swap3A_826, %swap3A_827, %swap3A_828] : memref<100x64x256xf32, #tpu.memory_space<vmem>>, vector<1x64x256xf32>
    %swap3A_830 = vector.shape_cast %swap3A_829 : vector<1x64x256xf32> to vector<64x256xf32>
    %swap3A_831 = vector.shape_cast %slice3A_825 : vector<64x256xf32> to vector<1x64x256xf32>
    tpu.vector_store %arg2[%swap3A_826, %swap3A_827, %swap3A_828], %swap3A_831 {strides = array<i32>} : memref<100x64x256xf32, #tpu.memory_space<vmem>>, vector<1x64x256xf32>,
    %slice3A_832 = vector.extract_strided_slice %get3A_2 {offsets = [0, 49, 0], sizes = [256, 1, 128], strides = [1, 1, 1]} : vector<256x56x128xf32> to vector<256x1x128xf32>
    %squeeze3A_833 = vector.shape_cast %slice3A_832 : vector<256x1x128xf32> to vector<256x128xf32>
    %transpose3A_834 = tpu.transpose %squeeze3A_833, [1, 0] : vector<256x128xf32> -> vector<128x256xf32>
    %slice3A_835 = vector.extract_strided_slice %transpose3A_834 {offsets = [0, 0], sizes = [64, 256], strides = [1, 1]} : vector<128x256xf32> to vector<64x256xf32>
    %swap3A_836 = arith.constant 98 : index
    %swap3A_837 = arith.constant 0 : index
    %swap3A_838 = arith.constant 0 : index
    %swap3A_839 = vector.load %arg2[%swap3A_836, %swap3A_837, %swap3A_838] : memref<100x64x256xf32, #tpu.memory_space<vmem>>, vector<1x64x256xf32>
    %swap3A_840 = vector.shape_cast %swap3A_839 : vector<1x64x256xf32> to vector<64x256xf32>
    %swap3A_841 = vector.shape_cast %slice3A_835 : vector<64x256xf32> to vector<1x64x256xf32>
    tpu.vector_store %arg2[%swap3A_836, %swap3A_837, %swap3A_838], %swap3A_841 {strides = array<i32>} : memref<100x64x256xf32, #tpu.memory_space<vmem>>, vector<1x64x256xf32>,
    %slice3A_842 = vector.extract_strided_slice %transpose3A_834 {offsets = [64, 0], sizes = [64, 256], strides = [1, 1]} : vector<128x256xf32> to vector<64x256xf32>
    %swap3A_843 = arith.constant 99 : index
    %swap3A_844 = arith.constant 0 : index
    %swap3A_845 = arith.constant 0 : index
    %swap3A_846 = vector.load %arg2[%swap3A_843, %swap3A_844, %swap3A_845] : memref<100x64x256xf32, #tpu.memory_space<vmem>>, vector<1x64x256xf32>
    %swap3A_847 = vector.shape_cast %swap3A_846 : vector<1x64x256xf32> to vector<64x256xf32>
    %swap3A_848 = vector.shape_cast %slice3A_842 : vector<64x256xf32> to vector<1x64x256xf32>
    tpu.vector_store %arg2[%swap3A_843, %swap3A_844, %swap3A_845], %swap3A_848 {strides = array<i32>} : memref<100x64x256xf32, #tpu.memory_space<vmem>>, vector<1x64x256xf32>,
    return
  }
  func.func @transform_0(%arg0: i32) -> (i32, i32, i32) {
    %c0_i32 = arith.constant 0 : i32
    %c0_i32_0 = arith.constant 0 : i32
    %c0_i32_1 = arith.constant 0 : i32
    return %arg0, %c0_i32, %c0_i32_0 : i32, i32, i32
  }
  func.func @transform_1(%arg0: i32) -> (i32, i32, i32) {
    %jit3A = arith.constant 16 : i32
    %div3A = arith.divsi %arg0, %jit3A : i32
    %sign3A = arith.constant 0 : i32
    %sign3A_0 = arith.cmpi sgt, %arg0, %sign3A : i32
    %sign3A_1 = arith.extui %sign3A_0 : i1 to i32
    %sign3A_2 = arith.constant 0 : i32
    %sign3A_3 = arith.cmpi slt, %arg0, %sign3A_2 : i32
    %sign3A_4 = arith.extui %sign3A_3 : i1 to i32
    %sign3A_5 = arith.subi %sign3A_1, %sign3A_4 : i32
    %sign3A_6 = arith.constant 0 : i32
    %sign3A_7 = arith.cmpi sgt, %jit3A, %sign3A_6 : i32
    %sign3A_8 = arith.extui %sign3A_7 : i1 to i32
    %sign3A_9 = arith.constant 0 : i32
    %sign3A_10 = arith.cmpi slt, %jit3A, %sign3A_9 : i32
    %sign3A_11 = arith.extui %sign3A_10 : i1 to i32
    %sign3A_12 = arith.subi %sign3A_8, %sign3A_11 : i32
    %ne3A = arith.cmpi ne, %sign3A_5, %sign3A_12 : i32
    %rem3A = arith.remsi %arg0, %jit3A : i32
    %ne3A_13 = arith.constant 0 : i32
    %ne3A_14 = arith.cmpi ne, %rem3A, %ne3A_13 : i32
    %and3A = arith.andi %ne3A, %ne3A_14 : i1
    %sub3A = arith.constant 1 : i32
    %sub3A_15 = arith.subi %div3A, %sub3A : i32
    %select_n3A = arith.select %and3A, %sub3A_15, %div3A : i32
    %jit3A_16 = arith.constant 16 : i32
    %eq3A = arith.constant 0 : i32
    %eq3A_17 = arith.cmpi eq, %jit3A_16, %eq3A : i32
    %jit3A_18 = arith.constant 1 : i32
    %select_n3A_19 = arith.select %eq3A_17, %jit3A_18, %jit3A_16 : i32
    %rem3A_20 = arith.remsi %arg0, %select_n3A_19 : i32
    %ne3A_21 = arith.constant 0 : i32
    %ne3A_22 = arith.cmpi ne, %rem3A_20, %ne3A_21 : i32
    %lt3A = arith.constant 0 : i32
    %lt3A_23 = arith.cmpi slt, %rem3A_20, %lt3A : i32
    %lt3A_24 = arith.constant 0 : i32
    %lt3A_25 = arith.cmpi slt, %select_n3A_19, %lt3A_24 : i32
    %ne3A_26 = arith.xori %lt3A_23, %lt3A_25 : i1
    %and3A_27 = arith.andi %ne3A_26, %ne3A_22 : i1
    %add3A = arith.addi %rem3A_20, %select_n3A_19 : i32
    %select_n3A_28 = arith.select %and3A_27, %add3A, %rem3A_20 : i32
    %c0_i32 = arith.constant 0 : i32
    %c0_i32_29 = arith.constant 0 : i32
    return %select_n3A, %c0_i32, %select_n3A_28 : i32, i32, i32
  }
}

</mosaic_0001>

<sc_bundles>
// kernel: kernel.5.cloned.1.call-start
scs
__scs_entry_jumppad:
0x0: {  	(pc) =	sbr.rel $0x88, $3  }
0x1: {  	(tag) =	ssettag $0x0;
	lr =	simm.s32 $0x1  }
0x2: {  	[smem:$0x3F9D] =	sst lr;
	_ =	strace $0xD0000000  }
0x3: {  	_ = 	snop  }
0x4: {  	_ = 	snop  }
0x5: {  	_ = 	snop  }
0x6: {  	_ = 	snop  }
0x7: {  	_ = 	snop  }
__scs_overlays_trampoline_lowered:
0x8: {  	[smem:$0x3FAC] =	sst s0  }
0x9: {  	[smem:$0x3FAD] =	sst s1  }
0xa: {  	[smem:$0x3FAE] =	sst s2  }
0xb: {  	[smem:$0x3FAF] =	sst s3  }
0xc: {  	[smem:$0x3FB0] =	sst s4  }
0xd: {  	[smem:$0x3FB1] =	sst s5  }
0xe: {  	[smem:$0x3FB2] =	sst s6  }
0xf: {  	[smem:$0x3FB3] =	sst s7  }
0x10: {  	[smem:$0x3FB4] =	sst s8  }
0x11: {  	[smem:$0x3FB5] =	sst s9;
	s0 =	simm.s32 @!p0 $0x0  }
0x12: {  	s1 =	sld [smem:$0x3F9B];
	s0 =	simm.s32 @p0 $0x1  }
0x13: {  	[smem:$0x3FB6] =	sst s0;
	s0 =	simm.s32 @!p1 $0x0  }
0x14: {  	s2 =	sld [smem:$0x3F9A];
	s0 =	simm.s32 @p1 $0x1  }
0x15: {  	[smem:$0x3FB7] =	sst s0;
	s0 =	simm.s32 @!p2 $0x0  }
0x16: {  	s3 =	sld [smem:$0x3FDB];
	s0 =	simm.s32 @p2 $0x1  }
0x17: {  	s4 =	simm.s32 $0x1BF5;
	[smem:$0x3FB9] =	sst s0  }
0x18: {  	s0 =	sld [smem:$0x3F9C];
	_ =	swait.ge [sflag:s4], $0x0  }
0x19: {  	s7 =	sld [smem:$0x3F9D]  }
0x1a: {  	s8 =	sadd.s32 $0xFFFFE003, lr  }
0x1b: {  	s9 =	sadd.s32 $0xFFFFFEF7, lr;
	s5 =	simm.s32 $0xFFFFFFFF;
	p2 =	slt.u32 s8, $0xFFFFF086  }
0x1c: {  	p1 =	slt.u32 s9, $0xF7A;
	s5 =	simm.s32 @!p2 $0x0  }
0x1d: {  	s5 =	simm.s32 @p1 $0x1;
	p0 =	seq.s32 s7, s2  }
0x1e: {  	s7 =	smul.u32 @!p0 $0xF7A, s2;
	p2 =	seq.s32 @!p0 s5, $0x0  }
0x1f: {  	s9 =	smul.u32 $0xF7A, s1;
	s8 =	simm.s32 @!p0 $0x1BF5;
	p2 =	por !p2, p0  }
0x20: {  	[sflag:s8] =	ssyncset.s32 @!p0 $0xFFFFF086;
	s6 =	sadd.s32 @!p0 s3, s7;
	s7 =	simm.s32 @!p0 $0x108  }
0x21: {  	s3 =	sadd.s32 s3, s9;
	s6 =	sadd.s32 @!p0 $0x88, s6;
	s7 =	simm.s32 @p2 $0x1082  }
0x22: {  	[simem:s7], [sflag:s8] =	dma.local @!p0 [hbm:s6], $0xF7A  }
0x23: {  	s9 =	sor.u32 $0xD0000000, s2;
	s6 =	simm.s32 $0x108;
	_ =	swait.ge @!p0 [sflag:s8], $0x0  }
0x24: {  	s3 =	sadd.s32 $0x88, s3;
	s6 =	simm.s32 @!p1 $0x1082;
	[sflag:s4] =	ssyncset.s32 $0xFFFFF086  }
0x25: {  	[simem:s6], [sflag:s4] =	dma.local [hbm:s3], $0xF7A  }
0x26: {  	[smem:$0x3F9D] =	sst s1;
	(tag) =	ssettag s2;
	_ =	strace s9  }
0x27: {  	s1 =	sld [smem:$0x3FAD]  }
0x28: {  	s2 =	sld [smem:$0x3FAE]  }
0x29: {  	s4 =	sld [smem:$0x3FB0]  }
0x2a: {  	p0 =	seq.s32 s5, $0x0;
	s5 =	sld [smem:$0x3FB1]  }
0x2b: {  	s6 =	sld [smem:$0x3FB2]  }
0x2c: {  	s7 =	sld [smem:$0x3FB3]  }
0x2d: {  	s3 =	simm.s32 $0x108;
	s8 =	sld [smem:$0x3FB4]  }
0x2e: {  	s3 =	simm.s32 @!p0 $0x1082;
	s9 =	sld [smem:$0x3FB5]  }
0x2f: {  	lr =	sadd.s32 s0, s3;
	s0 =	sld [smem:$0x3FAC]  }
0x30: {  	s3 =	sld [smem:$0x3FAF]  }
0x31: {  	[smem:$0x3FB8] =	sst s10  }
0x32: {  	s10 =	sld [smem:$0x3FB6];
	_ =	sdelay $0x3  }
0x33: {  	p0 =	seq.s32 s10, $0x1;
	s10 =	sld [smem:$0x3FB8];
	_ =	sdelay $0x3  }
0x34: {  	[smem:$0x3FB8] =	sst s10  }
0x35: {  	s10 =	sld [smem:$0x3FB7];
	_ =	sdelay $0x3  }
0x36: {  	p1 =	seq.s32 s10, $0x1;
	s10 =	sld [smem:$0x3FB8];
	_ =	sdelay $0x3  }
0x37: {  	[smem:$0x3FB8] =	sst s10  }
0x38: {  	s10 =	sld [smem:$0x3FB9]  }
0x39: {  	_ = 	snop;
	(pc) =	sbr.ind lr, $3  }
0x3a: {  	_ = 	snop  }
0x3b: {  	_ = 	snop  }
0x3c: {  	p2 =	seq.s32 s10, $0x1;
	s10 =	sld [smem:$0x3FB8]  }
0x3d: {  	_ =	shalt  }
0x3e: {  	_ =	shalt  }
0x3f: {  	_ =	shalt  }
0x40: {  	_ =	shalt  }
0x41: {  	_ =	shalt  }
0x42: {  	_ =	shalt  }
0x43: {  	_ =	shalt  }
0x44: {  	_ =	shalt  }
0x45: {  	_ =	shalt  }
0x46: {  	_ =	shalt  }
0x47: {  	_ =	shalt  }
0x48: {  	_ =	shalt  }
0x49: {  	_ =	shalt  }
0x4a: {  	_ =	shalt  }
0x4b: {  	_ =	shalt  }
0x4c: {  	_ =	shalt  }
0x4d: {  	_ =	shalt  }
0x4e: {  	_ =	shalt  }
0x4f: {  	_ =	shalt  }
0x50: {  	_ =	shalt  }
0x51: {  	_ =	shalt  }
0x52: {  	_ =	shalt  }
0x53: {  	_ =	shalt  }
0x54: {  	_ =	shalt  }
0x55: {  	_ =	shalt  }
0x56: {  	_ =	shalt  }
0x57: {  	_ =	shalt  }
0x58: {  	_ =	shalt  }
0x59: {  	_ =	shalt  }
0x5a: {  	_ =	shalt  }
0x5b: {  	_ =	shalt  }
0x5c: {  	_ =	shalt  }
0x5d: {  	_ =	shalt  }
0x5e: {  	_ =	shalt  }
0x5f: {  	_ =	shalt  }
0x60: {  	_ =	shalt  }
0x61: {  	_ =	shalt  }
0x62: {  	_ =	shalt  }
0x63: {  	_ =	shalt  }
0x64: {  	_ =	shalt  }
0x65: {  	_ =	shalt  }
0x66: {  	_ =	shalt  }
0x67: {  	_ =	shalt  }
0x68: {  	_ =	shalt  }
0x69: {  	_ =	shalt  }
0x6a: {  	_ =	shalt  }
0x6b: {  	_ =	shalt  }
0x6c: {  	_ =	shalt  }
0x6d: {  	_ =	shalt  }
0x6e: {  	_ =	shalt  }
0x6f: {  	_ =	shalt  }
0x70: {  	_ =	shalt  }
0x71: {  	_ =	shalt  }
0x72: {  	_ =	shalt  }
0x73: {  	_ =	shalt  }
0x74: {  	_ =	shalt  }
0x75: {  	_ =	shalt  }
0x76: {  	_ =	shalt  }
0x77: {  	_ =	shalt  }
0x78: {  	_ =	shalt  }
0x79: {  	_ =	shalt  }
0x7a: {  	_ =	shalt  }
0x7b: {  	_ =	shalt  }
0x7c: {  	_ =	shalt  }
0x7d: {  	_ =	shalt  }
0x7e: {  	_ =	shalt  }
0x7f: {  	_ =	shalt  }
0x80: {  	_ =	shalt  }
0x81: {  	_ =	shalt  }
0x82: {  	_ =	shalt  }
0x83: {  	_ =	shalt  }
0x84: {  	_ =	shalt  }
0x85: {  	_ =	shalt  }
0x86: {  	_ =	shalt  }
0x87: {  	_ =	shalt  }
.Lfunc_end0:
.L_simem_size_0:
called_computation_lowered:
.L_overlay_start_0:
0x88: {  	s2 =	sld [smem:$0x3FD9]  }
0x89: {  	s3 =	sld [smem:$0x3FFE];
	_ =	sdelay $0x1  }
0x8a: {  	s1 =	srdreg.scid  }
0x8b: {  	s0 =	sand.u32 $0x1, s1  }
0x8c: {  	s17 =	sshll.u32 s0, $0xA;
	s2 =	sadd.s32 s3, s2  }
0x8d: {  	s2 =	sadd.s32 s2, s17  }
0x8e: {  	[smem:$0x3FC4] =	sst s2  }
0x8f: {  	_ = 	snop  }
0x90: {  	s2 =	sld [smem:$0x3FD0];
	(tm) =	ssettm $0x1  }
0x91: {  	s18 =	sld [smem:$0x3FFB];
	_ =	sdelay $0x3  }
0x92: {  	_ =	strace s18  }
0x93: {  	s3 =	sld [smem:$0x3FFC];
	_ =	sdelay $0x3  }
0x94: {  	_ =	strace s3  }
0x95: {  	s3 =	sld [smem:$0x3FFD];
	_ =	sdelay $0x3  }
0x96: {  	_ =	strace s3  }
0x97: {  	_ =	strace $0x8FFFFFFF  }
0x98: {  	s19 =	sld [smem:$0x3FDB];
	_ =	sdelay $0x1  }
0x99: {  	s4 =	simm.s32 $_scs_section_size  }
0x9a: {  	s5 =	simm.s32 $_size__tile_overlayer_lowered;
	s6 =	simm.s32 $_tile_overlayer_lowered  }
0x9b: {  	s22 =	simm.s32 $0x1BFF;
	s21 =	sshll.u32 s6, $0x1;
	s3 =	sadd.s32 s4, s19  }
0x9c: {  	s7 =	simm.s32 $0x0;
	s20 =	sshll.u32 s5, $0x1;
	s5 =	sadd.s32 s21, s3  }
0x9d: {  	[timem:s7], [sflag:s22] =	dma.local [hbm:s5], s20  }
0x9e: {  	_ =	swait.ge [sflag:s22], s20  }
0x9f: {  	s4 =	ssub.s32 $0x0, s20;
	[sflag:s22] =	ssyncset.done $0x0  }
0xa0: {  	[sflag:s22] =	ssyncadd.s32 s4;
	_ =	sdelay $0x1  }
0xa1: {  	s23 =	simm.s32 $0x1B8B  }
0xa2: {  	_ =	swait.ge [sflag:s23], $0x1  }
0xa3: {  	[sflag:s23] =	ssyncset.done $0x0  }
0xa4: {  	s25 =	simm.s32 $0x1B8E;
	s24 =	sld [smem:$0x3FFE];
	[sflag:s23] =	ssyncadd.s32 $0xFFFFFFFF  }
0xa5: {  	s26 =	simm.s32 $execute0_lowered;
	[smem:$0x3FD2] =	sst s25  }
0xa6: {  	s5 =	sshll.u32 s26, $0x1;
	_ =	strace $0x80000046;
	[dreg:$0x1] =	wrdreg $0xFFFFFFFF  }
0xa7: {  	s28 =	simm.s32 $_size_execute0_lowered;
	s3 =	sadd.s32 s3, s5;
	[dreg:$0x0] =	wrdreg $0x0  }
0xa8: {  	s5 =	sshll.u32 s28, $0x1;
	[dreg:$0x2] =	wrdreg s3  }
0xa9: {  	[dreg:$0x3] =	wrdreg s5  }
0xaa: {  	[dreg:$0x4] =	wrdreg $0xC0  }
0xab: {  	_ =	task [dreg:s7], $0x5FFFF  }
0xac: {  	[dreg:$0x1] =	wrdreg $0xFFFFFFFF  }
0xad: {  	[dreg:$0x0] =	wrdreg $0x60  }
0xae: {  	[dreg:$0x2] =	wrdreg s2  }
0xaf: {  	[dreg:$0x3] =	wrdreg s24  }
0xb0: {  	[dreg:$0x4] =	wrdreg $0x9  }
0xb1: {  	_ =	task.clear_ibuf [dreg:s7], $0x5FFFF;
	_ =	strace $0x90000046  }
0xb2: {  	s29 =	simm.s32 $0x9;
	_ =	strace $0x80000048  }
0xb3: {  	_ =	swait.ge [sflag:s29], $0x1  }
0xb4: {  	[sflag:s29] =	ssyncadd.s32 $0xFFFFFFFF  }
0xb5: {  	_ =	strace $0x90000048  }
0xb6: {  	_ =	sfence  }
0xb7: {  	s30 =	sld [smem:$0x0];
	_ =	sdelay $0x2  }
0xb8: {  	s31 =	sshll.u32 s1, $0xD;
	s1 =	sshrl.u32 s1, $0x2  }
0xb9: {  	s3 =	sand.u32 $0x4000, s31;
	s1 =	sadd.s32 s1, s30  }
0xba: {  	s0 =	sor.u32 s3, s0;
	s1 =	sshll.u32 s1, $0x11  }
0xbb: {  	s0 =	sor.u32 s1, s0  }
0xbc: {  	s0 =	sadd.s32 $0x8F2B, s0  }
0xbd: {  	[sflag:s0] =	ssyncadd.remote.s32 $0x1  }
0xbe: {  	_ =	sfence.sel $0xFFFF  }
0xbf: {  	[dreg:$0x0] =	wrdreg $0xFFFFFFFF;
	(pc) =	sbr.abs _section_cstart, $3  }
0xc0: {  	[dreg:$0x1] =	wrdreg $0xFFFFFFFF  }
0xc1: {  	_ =	task.clear_ibuf [dreg:s7], $0x2FFFF;
	_ =	strace $0x9FFFFFFF  }
0xc2: {  	(tm) =	ssettm $0x7FFFFFFF  }
0xc3: {  	_ =	shalt  }
tec
execute0_lowered:
.L_overlay_start_1:
0x0: {  	(tag) =	ssettag $0x1  }
0x1: {  	s0 =	srdreg.scid  }
0x2: {  	s1 =	stileid.u32;
	s2 =	rddreg [dreg:$0x0]  }
0x3: {  	s5 =	rddreg [dreg:$0x1];
	s3 =	simm.s32 $0x0;
	s11 =	simm.s32 $0x3  }
0x4: {  	s13 =	simm.s32 $0x70;
	s14 =	simm.s32 $0x7000;
	s15 =	simm.s32 $0x8C00  }
0x5: {  	s17 =	simm.s32 $0xA800;
	s19 =	simm.s32 $0xC400;
	s20 =	simm.s32 $0x1  }
0x6: {  	s21 =	simm.s32 $0xE000;
	s0 =	sand.u32 $0x1, s0;
	s1 =	sshll.u32 s1, $0x1  }
0x7: {  	s22 =	simm.s32 $0xFC00;
	s23 =	simm.s32 $0x11800;
	s1 =	sor.u32 s0, s1  }
0x8: {  	s24 =	simm.s32 $0x13400;
	s0 =	ssub.s32 $0x2, s0;
	s4 =	smul.u32 $0x3800, s1  }
0x9: {  	s25 =	simm.s32 $0x2;
	[smem:$0x7FF] =	sst s3;
	s29 =	sshrl.u32 s0, $0x1  }
0xa: {  	s0 =	ssub.s32 s0, s29;
	s6 =	sshrl.u32 s4, $0x3;
	s4 =	smul.u32 $0xE0000, s1  }
0xb: {  	s31 =	simm.s32 $0x0;
	_ =	strace $0x80000047;
	s8 =	smax.u32 s0, $0x1  }
0xc: {  	s28 =	sadd.s32 s6, s5;
	s5 =	sadd.s32 $0x1C600, s5;
	s7 =	sshrl.u32 s4, $0x3  }
0xd: {  	s30 =	sadd.s32 $0x600, s28;
	s10 =	sadd.s32 s5, s7;
	s7 =	sadd.s32 $0xE600, s28  }
0xe: {  	[dreg:$0x3] =	wrdreg s30;
	s9 =	sadd.s32 $0x39A400, s10;
	s10 =	sadd.s32 $0x39B200, s10  }
.LBB2_1:
0xf: {  	s0 =	rddreg [dreg:$0x3]  }
0x10: {  	[tilespmem:s3], [sflag:$0x3] =	stream.linear.gather [hbm4b:s0+s3], $0x3800, $0x38;
	[tilespmem:$0x15000] =	vst v63  }
0x11: {  	_ =	swait.ge [sflag:s11], $0x3800  }
0x12: {  	[sflag:s11] =	ssyncset.done $0x0  }
0x13: {  	s26 =	simm.s32 $0x3800;
	[sflag:s11] =	ssyncadd.s32 $0xFFFFC800  }
0x14: {  	[tilespmem:s26], [sflag:$0x3] =	stream.linear.gather [hbm4b:s7+s3], $0x3800, $0x38;
	[tilespmem:$0x15000] =	vst v63  }
0x15: {  	_ =	swait.ge [sflag:s11], $0x3800  }
0x16: {  	[sflag:s11] =	ssyncset.done $0x0  }
0x17: {  	[sflag:s11] =	ssyncadd.s32 $0xFFFFC800  }
0x18: {  	[tilespmem:s14], [sflag:$0x1] =	stream.indirect.gather [hbm4b:s2+s13], $0x40, s3, s13, $0xb8;
	[tilespmem:$0x15000] =	vst v63  }
0x19: {  	_ = 	snop  }
0x1a: {  	[tilespmem:s15], [sflag:$0x1] =	stream.indirect.gather [hbm4b:s2+s13], $0x40, s13, s13, $0xb8;
	[tilespmem:$0x15000] =	vst v63  }
0x1b: {  	s28 =	simm.s32 $0xE0  }
0x1c: {  	[tilespmem:s17], [sflag:$0x1] =	stream.indirect.gather [hbm4b:s2+s13], $0x40, s28, s13, $0xb8;
	[tilespmem:$0x15000] =	vst v63  }
0x1d: {  	s29 =	simm.s32 $0x150  }
0x1e: {  	[tilespmem:s19], [sflag:$0x1] =	stream.indirect.gather [hbm4b:s2+s13], $0x40, s29, s13, $0xb8;
	[tilespmem:$0x15000] =	vst v63  }
0x1f: {  	_ =	swait.ge [sflag:s20], $0x1C00  }
0x20: {  	[sflag:s20] =	ssyncset.done $0x0  }
0x21: {  	[sflag:s20] =	ssyncadd.s32 $0xFFFFE400  }
0x22: {  	_ =	swait.ge [sflag:s20], $0x1C00  }
0x23: {  	[sflag:s20] =	ssyncset.done $0x0  }
0x24: {  	[sflag:s20] =	ssyncadd.s32 $0xFFFFE400  }
0x25: {  	s30 =	sand.u32 $0x1E, s3;
	s12 =	simm.s32 $0x0;
	_ =	swait.ge [sflag:s20], $0x1C00  }
0x26: {  	s1 =	sor.u32 $0x1, s30;
	s18 =	smul.u32 $0xE000, s12;
	[sflag:s20] =	ssyncset.done $0x0  }
0x27: {  	s16 =	smul.u32 $0x700, s1;
	[sflag:s20] =	ssyncadd.s32 $0xFFFFE400  }
0x28: {  	_ =	swait.ge [sflag:s20], $0x1C00  }
0x29: {  	s18 =	sshra.s32 s18, $0x2;
	s16 =	sshrl.u32 s16, $0x2;
	[sflag:s20] =	ssyncset.done $0x0  }
0x2a: {  	s12 =	smul.u32 $0x1C00000, s12;
	s16 =	sadd.s32 s16, s18;
	[sflag:s20] =	ssyncadd.s32 $0xFFFFE400  }
0x2b: {  	[tilespmem:s21], [sflag:$0x1] =	stream.indirect.gather [hbm4b:s2+s13], $0x40, s16, s13, $0xb8;
	[tilespmem:$0x15000] =	vst v63  }
0x2c: {  	s0 =	smul.u32 $0x7000, s30;
	s12 =	sadd.s32 s4, s12;
	s18 =	sadd.s32 $0x70, s16  }
0x2d: {  	[tilespmem:s22], [sflag:$0x1] =	stream.indirect.gather [hbm4b:s2+s13], $0x40, s18, s13, $0xb8;
	[tilespmem:$0x15000] =	vst v63  }
0x2e: {  	s0 =	sadd.s32 s0, s12;
	s6 =	sadd.s32 $0xE0, s16  }
0x2f: {  	[tilespmem:s23], [sflag:$0x1] =	stream.indirect.gather [hbm4b:s2+s13], $0x40, s6, s13, $0xb8;
	[tilespmem:$0x15000] =	vst v63  }
0x30: {  	s0 =	sshrl.u32 s0, $0x3;
	s16 =	sadd.s32 $0x150, s16  }
0x31: {  	[tilespmem:s24], [sflag:$0x1] =	stream.indirect.gather [hbm4b:s2+s13], $0x40, s16, s13, $0xb8;
	[tilespmem:$0x15000] =	vst v63  }
0x32: {  	s0 =	sadd.s32 s5, s0  }
0x33: {  	[hbm4b:s0+s3] =	stream.linear.scatter [tilespmem:s14], [sflag:$0x2], $0x7000, $0x38;
	[tilespmem:$0x15000] =	vst v63  }
0x34: {  	_ =	swait.ge [sflag:s20], $0x1C00  }
0x35: {  	[sflag:s20] =	ssyncset.done $0x0  }
0x36: {  	[sflag:s20] =	ssyncadd.s32 $0xFFFFE400  }
0x37: {  	_ =	swait.ge [sflag:s20], $0x1C00  }
0x38: {  	[sflag:s20] =	ssyncset.done $0x0  }
0x39: {  	[sflag:s20] =	ssyncadd.s32 $0xFFFFE400  }
0x3a: {  	_ =	swait.ge [sflag:s20], $0x1C00  }
0x3b: {  	s16 =	smul.u32 $0x7000, s1;
	[sflag:s20] =	ssyncset.done $0x0  }
0x3c: {  	s26 =	simm.s32 $0x0;
	s18 =	simm.s32 $0x8;
	[sflag:s20] =	ssyncadd.s32 $0xFFFFE400  }
0x3d: {  	s1 =	sand.u32 $0x78, s18;
	s0 =	sadd.s32 s12, s16;
	_ =	swait.ge [sflag:s20], $0x1C00  }
0x3e: {  	s1 =	smul.u32 $0x1C0, s1;
	s0 =	sshrl.u32 s0, $0x3;
	[sflag:s20] =	ssyncset.done $0x0  }
0x3f: {  	s12 =	smul.u32 $0xE000, s26;
	s0 =	sadd.s32 s5, s0;
	[sflag:s20] =	ssyncadd.s32 $0xFFFFE400  }
0x40: {  	[hbm4b:s0+s3] =	stream.linear.scatter [tilespmem:s21], [sflag:$0x2], $0x7000, $0x38;
	[tilespmem:$0x15000] =	vst v63  }
0x41: {  	_ =	swait.ge [sflag:s25], $0x7000  }
0x42: {  	s1 =	sshrl.u32 s1, $0x2;
	s28 =	sshra.s32 s12, $0x2;
	[sflag:s25] =	ssyncset.done $0x0  }
0x43: {  	s29 =	sadd.s32 s1, s28;
	[sflag:s25] =	ssyncadd.s32 $0xFFFF9000  }
0x44: {  	[tilespmem:s14], [sflag:$0x1] =	stream.indirect.gather [hbm4b:s2+s13], $0x40, s29, s13, $0xb8;
	[tilespmem:$0x15000] =	vst v63  }
0x45: {  	s12 =	simm.s32 $0x1;
	s1 =	simm.s32 $0x10;
	s0 =	sor.u32 $0x70, s29  }
0x46: {  	[tilespmem:s15], [sflag:$0x1] =	stream.indirect.gather [hbm4b:s2+s13], $0x40, s0, s13, $0xb8;
	[tilespmem:$0x15000] =	vst v63  }
0x47: {  	s30 =	sadd.s32 $0xE0, s29;
	s16 =	sadd.s32 $0x150, s29;
	s0 =	simm.s32 $0x2  }
0x48: {  	[tilespmem:s17], [sflag:$0x1] =	stream.indirect.gather [hbm4b:s2+s13], $0x40, s30, s13, $0xb8;
	[tilespmem:$0x15000] =	vst v63  }
.LBB2_2:
0x49: {  	[tilespmem:s19], [sflag:$0x1] =	stream.indirect.gather [hbm4b:s2+s13], $0x40, s16, s13, $0xb8;
	[tilespmem:$0x15000] =	vst v63  }
0x4a: {  	s16 =	smov.u32 s1  }
0x4b: {  	p0 =	sne.s32 s1, $0xF8;
	s1 =	sadd.s32 $0x8, s1;
	_ =	swait.ge [sflag:s25], $0x7000  }
0x4c: {  	[sflag:s25] =	ssyncset.done $0x0  }
0x4d: {  	[sflag:s25] =	ssyncadd.s32 $0xFFFF9000  }
0x4e: {  	_ =	swait.ge [sflag:s20], $0x1C00  }
0x4f: {  	[sflag:s20] =	ssyncset.done $0x0  }
0x50: {  	[sflag:s20] =	ssyncadd.s32 $0xFFFFE400  }
0x51: {  	_ =	swait.ge [sflag:s20], $0x1C00  }
0x52: {  	s18 =	sshrl.u32 s12, $0x4;
	s26 =	sand.u32 $0x1E, s0;
	[sflag:s20] =	ssyncset.done $0x0  }
0x53: {  	s28 =	sor.u32 $0x1, s26;
	s29 =	smul.u32 $0x1C00000, s18;
	[sflag:s20] =	ssyncadd.s32 $0xFFFFE400  }
0x54: {  	s30 =	smul.u32 $0x700, s28;
	_ =	swait.ge [sflag:s20], $0x1C00  }
0x55: {  	s18 =	smul.u32 $0xE000, s18;
	[sflag:s20] =	ssyncset.done $0x0  }
0x56: {  	s28 =	smul.u32 $0x7000, s28;
	s30 =	sshrl.u32 s30, $0x2;
	[sflag:s20] =	ssyncadd.s32 $0xFFFFE400  }
0x57: {  	s18 =	sshra.s32 s18, $0x2;
	s29 =	sadd.s32 s4, s29;
	_ =	swait.ge [sflag:s20], $0x1C00  }
0x58: {  	s28 =	sadd.s32 s29, s28;
	s18 =	sadd.s32 s30, s18;
	[sflag:s20] =	ssyncset.done $0x0  }
0x59: {  	s26 =	smul.u32 $0x7000, s26;
	s30 =	sadd.s32 $0x70, s18;
	[sflag:s20] =	ssyncadd.s32 $0xFFFFE400  }
0x5a: {  	[tilespmem:s21], [sflag:$0x1] =	stream.indirect.gather [hbm4b:s2+s13], $0x40, s18, s13, $0xb8;
	[tilespmem:$0x15000] =	vst v63  }
0x5b: {  	s26 =	sadd.s32 s26, s29;
	s28 =	sshrl.u32 s28, $0x3;
	s6 =	sadd.s32 $0xE0, s18  }
0x5c: {  	[tilespmem:s22], [sflag:$0x1] =	stream.indirect.gather [hbm4b:s2+s13], $0x40, s30, s13, $0xb8;
	[tilespmem:$0x15000] =	vst v63  }
0x5d: {  	s26 =	sshrl.u32 s26, $0x3;
	s18 =	sadd.s32 $0x150, s18  }
0x5e: {  	[tilespmem:s23], [sflag:$0x1] =	stream.indirect.gather [hbm4b:s2+s13], $0x40, s6, s13, $0xb8;
	[tilespmem:$0x15000] =	vst v63  }
0x5f: {  	s6 =	sadd.s32 s5, s26  }
0x60: {  	[tilespmem:s24], [sflag:$0x1] =	stream.indirect.gather [hbm4b:s2+s13], $0x40, s18, s13, $0xb8;
	[tilespmem:$0x15000] =	vst v63  }
0x61: {  	_ = 	snop  }
0x62: {  	[hbm4b:s6+s3] =	stream.linear.scatter [tilespmem:s14], [sflag:$0x2], $0x7000, $0x38;
	[tilespmem:$0x15000] =	vst v63  }
0x63: {  	_ =	swait.ge [sflag:s20], $0x1C00  }
0x64: {  	[sflag:s20] =	ssyncset.done $0x0  }
0x65: {  	[sflag:s20] =	ssyncadd.s32 $0xFFFFE400  }
0x66: {  	_ =	swait.ge [sflag:s20], $0x1C00  }
0x67: {  	[sflag:s20] =	ssyncset.done $0x0  }
0x68: {  	[sflag:s20] =	ssyncadd.s32 $0xFFFFE400  }
0x69: {  	_ =	swait.ge [sflag:s20], $0x1C00  }
0x6a: {  	[sflag:s20] =	ssyncset.done $0x0  }
0x6b: {  	s0 =	sadd.s32 $0x2, s0;
	[sflag:s20] =	ssyncadd.s32 $0xFFFFE400  }
0x6c: {  	s18 =	sshrl.u32 s0, $0x5;
	s6 =	sadd.s32 s5, s28;
	_ =	swait.ge [sflag:s20], $0x1C00  }
0x6d: {  	s18 =	smul.u32 $0xE000, s18;
	[sflag:s20] =	ssyncset.done $0x0  }
0x6e: {  	s16 =	sand.u32 $0x78, s16;
	[sflag:s20] =	ssyncadd.s32 $0xFFFFE400  }
0x6f: {  	s16 =	smul.u32 $0x1C0, s16  }
0x70: {  	[hbm4b:s6+s3] =	stream.linear.scatter [tilespmem:s21], [sflag:$0x2], $0x7000, $0x38;
	[tilespmem:$0x15000] =	vst v63  }
0x71: {  	s16 =	sshrl.u32 s16, $0x2;
	s6 =	sshra.s32 s18, $0x2;
	_ =	swait.ge [sflag:s25], $0x7000  }
0x72: {  	s6 =	sadd.s32 s16, s6;
	[sflag:s25] =	ssyncset.done $0x0  }
0x73: {  	[sflag:s25] =	ssyncadd.s32 $0xFFFF9000  }
0x74: {  	[tilespmem:s14], [sflag:$0x1] =	stream.indirect.gather [hbm4b:s2+s13], $0x40, s6, s13, $0xb8;
	[tilespmem:$0x15000] =	vst v63  }
.Ltmp0:
0x75: {  	s16 =	sor.u32 $0x70, s6;
	(pc) =	sbr.rel @p0 .LBB2_2-.Ltmp0, $4  }
0x76: {  	[tilespmem:s15], [sflag:$0x1] =	stream.indirect.gather [hbm4b:s2+s13], $0x40, s16, s13, $0xb8;
	[tilespmem:$0x15000] =	vst v63  }
0x77: {  	s16 =	sadd.s32 $0xE0, s6  }
0x78: {  	[tilespmem:s17], [sflag:$0x1] =	stream.indirect.gather [hbm4b:s2+s13], $0x40, s16, s13, $0xb8;
	[tilespmem:$0x15000] =	vst v63  }
0x79: {  	s12 =	sadd.s32 $0x1, s12;
	s16 =	sadd.s32 $0x150, s6  }
0x7a: {  	[tilespmem:s19], [sflag:$0x1] =	stream.indirect.gather [hbm4b:s2+s13], $0x40, s16, s13, $0xb8;
	[tilespmem:$0x15000] =	vst v63  }
0x7b: {  	_ =	swait.ge [sflag:s25], $0x7000  }
0x7c: {  	[sflag:s25] =	ssyncset.done $0x0  }
0x7d: {  	[sflag:s25] =	ssyncadd.s32 $0xFFFF9000  }
0x7e: {  	_ =	swait.ge [sflag:s20], $0x1C00  }
0x7f: {  	[sflag:s20] =	ssyncset.done $0x0  }
0x80: {  	[sflag:s20] =	ssyncadd.s32 $0xFFFFE400  }
0x81: {  	_ =	swait.ge [sflag:s20], $0x1C00  }
0x82: {  	[sflag:s20] =	ssyncset.done $0x0  }
0x83: {  	[sflag:s20] =	ssyncadd.s32 $0xFFFFE400  }
0x84: {  	_ =	swait.ge [sflag:s20], $0x1C00  }
0x85: {  	[sflag:s20] =	ssyncset.done $0x0  }
0x86: {  	[sflag:s20] =	ssyncadd.s32 $0xFFFFE400  }
0x87: {  	_ =	swait.ge [sflag:s20], $0x1C00  }
0x88: {  	[sflag:s20] =	ssyncset.done $0x0  }
0x89: {  	s0 =	simm.s32 $0x6E40;
	[sflag:s20] =	ssyncadd.s32 $0xFFFFE400  }
0x8a: {  	[tilespmem:s21], [sflag:$0x1] =	stream.indirect.gather [hbm4b:s2+s13], $0x40, s0, s13, $0xb8;
	[tilespmem:$0x15000] =	vst v63  }
0x8b: {  	s28 =	simm.s32 $0x6EB0  }
0x8c: {  	[tilespmem:s22], [sflag:$0x1] =	stream.indirect.gather [hbm4b:s2+s13], $0x40, s28, s13, $0xb8;
	[tilespmem:$0x15000] =	vst v63  }
0x8d: {  	s29 =	simm.s32 $0x6F20  }
0x8e: {  	[tilespmem:s23], [sflag:$0x1] =	stream.indirect.gather [hbm4b:s2+s13], $0x40, s29, s13, $0xb8;
	[tilespmem:$0x15000] =	vst v63  }
0x8f: {  	s30 =	simm.s32 $0x6F90  }
0x90: {  	[tilespmem:s24], [sflag:$0x1] =	stream.indirect.gather [hbm4b:s2+s13], $0x40, s30, s13, $0xb8;
	[tilespmem:$0x15000] =	vst v63  }
0x91: {  	_ = 	snop  }
0x92: {  	[hbm4b:s9+s3] =	stream.linear.scatter [tilespmem:s14], [sflag:$0x2], $0x7000, $0x38;
	[tilespmem:$0x15000] =	vst v63  }
0x93: {  	_ =	swait.ge [sflag:s20], $0x1C00  }
0x94: {  	[sflag:s20] =	ssyncset.done $0x0  }
0x95: {  	[sflag:s20] =	ssyncadd.s32 $0xFFFFE400  }
0x96: {  	_ =	swait.ge [sflag:s20], $0x1C00  }
0x97: {  	[sflag:s20] =	ssyncset.done $0x0  }
0x98: {  	[sflag:s20] =	ssyncadd.s32 $0xFFFFE400  }
0x99: {  	_ =	swait.ge [sflag:s20], $0x1C00  }
0x9a: {  	[sflag:s20] =	ssyncset.done $0x0  }
0x9b: {  	[sflag:s20] =	ssyncadd.s32 $0xFFFFE400  }
0x9c: {  	_ =	swait.ge [sflag:s20], $0x1C00  }
0x9d: {  	[sflag:s20] =	ssyncset.done $0x0  }
0x9e: {  	s31 =	sadd.s32 $0x1, s31;
	[sflag:s20] =	ssyncadd.s32 $0xFFFFE400  }
0x9f: {  	[hbm4b:s10+s3] =	stream.linear.scatter [tilespmem:s21], [sflag:$0x2], $0x7000, $0x38;
	[tilespmem:$0x15000] =	vst v63  }
0xa0: {  	p0 =	sne.s32 s31, s8;
	_ =	swait.ge [sflag:s25], $0x7000  }
.Ltmp1:
0xa1: {  	[sflag:s25] =	ssyncset.done $0x0;
	(pc) =	sbr.rel @p0 .LBB2_1-.Ltmp1, $4  }
0xa2: {  	[sflag:s25] =	ssyncadd.s32 $0xFFFF9000  }
0xa3: {  	_ =	swait.ge [sflag:s25], $0x7000  }
0xa4: {  	[sflag:s25] =	ssyncset.done $0x0  }
0xa5: {  	[sflag:s25] =	ssyncadd.s32 $0xFFFF9000  }
0xa6: {  	_ =	sfence.sel $0x180000  }
0xa7: {  	[bflag:$0x0] =	sbarrier.arrive $0xFFFF  }
0xa8: {  	_ =	strace $0x90000047  }
0xa9: {  	s0 =	stileid.u32;
	[bflag:$0x2] =	sbarrier.arrive $0xFFFF  }
0xaa: {  	p0 =	sne.s32 s0, $0x0;
	s0 =	rddreg [dreg:$0x2]  }
0xab: {  	s0 =	sadd.s32 @!p0 $0x100000, s0  }
0xac: {  	[sflag:s0] =	ssyncadd.tile.s32 @!p0 $0x1;
	_ =	shalt  }
.Lfunc_end2:
_tile_overlayer_lowered:
.L_overlay_start_2:
0xad: {  	(tag) =	ssettag $0x2  }
0xae: {  	s0 =	rddreg [dreg:$0x0];
	s2 =	stileid.u32  }
0xaf: {  	s1 =	rddreg [dreg:$0x1];
	p0 =	sne.s32 s2, $0x0  }
0xb0: {  	s3 =	rddreg [dreg:$0x2];
	[bflag:$0x3] =	sbarrier.arrive $0xFFFF;
	s2 =	simm.s32 @!p0 $0x1C03  }
0xb1: {  	[timem:s3], [sflag:s2] =	dma.local @!p0 [hbm:s0], s1  }
0xb2: {  	s0 =	simm.s32 @!p0 $0x3  }
0xb3: {  	_ =	swait.ge @!p0 [sflag:s0], s1  }
0xb4: {  	s1 =	ssub.s32 @!p0 $0x0, s1;
	[sflag:s0] =	ssyncset.done @!p0 $0x0  }
0xb5: {  	[sflag:s0] =	ssyncadd.s32 @!p0 s1  }
0xb6: {  	[bflag:$0x3] =	sbarrier.arrive $0xFFFF  }
0xb7: {  	_ =	shalt  }

</sc_bundles>
